<compile_context>
chip_gen: v7x
topology: tpu7x:2x2x1
jax: 0.10.2.dev20260603
libtpu: 0.0.44.dev20260713+nightly
codegen_flags: <defaults>
</compile_context>

<pallas_src>
import functools

import numpy as np

import jax
import jax.numpy as jnp
from jax import lax
from jax.experimental import pallas as pl
from jax.experimental.pallas import tpu as pltpu
from jax.experimental.pallas import tpu_sc as plsc

TARGET_DISC = 1000
SPEED_DISC = 1000
MAX_ROAD_OPTIONS = 10
EMB_DIM = 8
BATCH = 16384

_INFO = plsc.get_sparse_core_info()
_NC, _NS, _L = _INFO.num_cores, _INFO.num_subcores, _INFO.num_lanes
_NW = _NC * _NS
_NROWS = 2 * TARGET_DISC + SPEED_DISC + MAX_ROAD_OPTIONS
_NPAD = 3016
_ROAD_WIN = _NPAD - 1000
_NCOMP = 4
_NGRP = _NW // _NCOMP
_BPW = BATCH // _NGRP
_NVEC = _BPW // _L
_TSEG = 1000


def _f32_linspace(start, stop, num):
    inv = np.float32(np.float32(1.0) / np.float32(num - 1))
    i = np.arange(num - 1, dtype=np.float32)
    t = i * inv
    head = np.float32(start) * (np.float32(1.0) - t) \
        + i * (np.float32(stop) * inv)
    return np.concatenate([head, np.array([stop], np.float32)])


_BINS = np.stack([
    _f32_linspace(-0.001, 0.001, TARGET_DISC),
    _f32_linspace(-0.001, 0.001, TARGET_DISC),
    _f32_linspace(-60.0, 60.0, SPEED_DISC),
    np.zeros(TARGET_DISC, np.float32),
])


def _sc_body(mc_hbm, tab_hbm, bins_hbm, out_hbm,
             m_v, tab_v, bins_v, rows_v, sem):
    wid = lax.axis_index("s") * _NC + lax.axis_index("c")
    comp = lax.rem(wid, _NCOMP)
    base = lax.div(wid, _NCOMP) * _BPW
    is_road = comp == _NCOMP - 1

    with jax.named_scope("in_dma"):
        copies = [
            pltpu.async_copy(mc_hbm.at[comp, pl.ds(base, _BPW)], m_v, sem),
            pltpu.async_copy(bins_hbm.at[comp], bins_v, sem),
        ]
        coff = jnp.where(is_road, _ROAD_WIN, comp * _TSEG)
        for k in range(4):
            p = lax.rem(k + wid, 4) * 2
            copies.append(pltpu.async_copy(
                tab_hbm.at[pl.ds(p, 2), pl.ds(coff, _TSEG)],
                tab_v.at[pl.ds(p, 2)], sem))
        for c in copies:
            c.wait()

    lo = jnp.where(comp < 2, jnp.float32(-0.001),
                   jnp.where(comp == 2, jnp.float32(-60.0), jnp.float32(0.0)))
    inv_step = jnp.where(comp < 2, jnp.float32(499500.0),
                         jnp.where(comp == 2, jnp.float32(8.325),
                                   jnp.float32(1.0)))
    hi_clip = jnp.where(is_road, MAX_ROAD_OPTIONS - 1, _TSEG - 1)
    road16 = jnp.broadcast_to(is_road, (_L,))
    loc_off = jnp.where(is_road, (_NCOMP - 1) * _TSEG - _ROAD_WIN, 0)
    nb = _TSEG

    with jax.named_scope("idx_gather"):
        @plsc.parallel_loop(0, _NVEC, unroll=4)
        def _work(i):
            x = m_v[pl.ds(i * _L, _L)]
            t = jnp.clip((x - lo) * inv_step, -1.0, float(nb)) + 1.0
            g = jnp.clip(lax.convert_element_type(t, jnp.int32), 0, nb)
            bin_hi = plsc.load_gather(bins_v, [jnp.clip(g, 0, nb - 1)])
            bin_lo = plsc.load_gather(bins_v, [jnp.clip(g - 1, 0, nb - 1)])
            one = jnp.full((_L,), 1, jnp.int32)
            zero = jnp.full((_L,), 0, jnp.int32)
            up = jnp.where((g < nb) & (bin_hi <= x), one, zero)
            dn = jnp.where((g > 0) & (bin_lo > x), one, zero)
            srch = g + up - dn
            road = lax.convert_element_type(x, jnp.int32)
            rid = jnp.clip(jnp.where(road16, road, srch), 0, hi_clip) + loc_off
            sl = pl.ds(i * _L, _L)
            for e in range(EMB_DIM):
                row = jnp.full((_L,), e, jnp.int32)
                rows_v[e, sl] = plsc.load_gather(tab_v, [row, rid])

    with jax.named_scope("out_dma"):
        pltpu.sync_copy(
            rows_v,
            out_hbm.at[pl.ds(comp * EMB_DIM, EMB_DIM), pl.ds(base, _BPW)])


_sc_lookup = functools.partial(
    pl.kernel,
    out_type=jax.ShapeDtypeStruct((_NCOMP * EMB_DIM, BATCH), jnp.float32),
    mesh=plsc.VectorSubcoreMesh(core_axis_name="c", subcore_axis_name="s"),
    compiler_params=pltpu.CompilerParams(
        needs_layout_passes=False, use_tc_tiling_on_sc=False),
    scratch_types=[
        pltpu.VMEM((_BPW,), jnp.float32),
        pltpu.VMEM((EMB_DIM, _TSEG), jnp.float32),
        pltpu.VMEM((_TSEG,), jnp.float32),
        pltpu.VMEM((EMB_DIM, _BPW), jnp.float32),
        pltpu.SemaphoreType.DMA,
    ],
)(_sc_body)


def kernel(metrics, target_x_emb, target_y_emb, speed_emb, road_option_emb):
    mcols = metrics.T
    table_t = jnp.concatenate(
        [target_x_emb.T, target_y_emb.T, speed_emb.T, road_option_emb.T,
         jnp.zeros((EMB_DIM, _NPAD - _NROWS), jnp.float32)], axis=1)
    out = _sc_lookup(mcols, table_t, jnp.asarray(_BINS)).T
    return (out, out)

# --- scband reference (transcript-rebuilt; emitter-appended) ---
"""Pipeline reference for scband-process-metrics-34892314313210 (READ-ONLY COPY).

The authoritative reference and input builder live on the scoring server;
editing this copy changes nothing except your own understanding.
"""

import jax, jax.numpy as jnp
import numpy as np

TARGET_DISC = 1000
SPEED_DISC = 1000
MAX_ROAD_OPTIONS = 10
EMB_DIM = 8
BATCH = 16384


def setup_inputs(seed: int = 0) -> dict:
    key = jax.random.key(seed)
    k1, k2, k3, k4 = jax.random.split(key, 4)
    # metrics columns: [target_x, target_y, speed, road_option]
    # NOTE: original module digitizes cols 0/1 into 1000 buckets spanning
    # [-0.001, 0.001] with an Embedding of size exactly 1000, so any value
    # >= 0.001 would produce an out-of-range index 1000. Zeros keep all
    # indices strictly in range (bucket ~500), matching a safe operating point.
    metrics = jnp.zeros((BATCH, 4), dtype=jnp.float32)
    target_x_emb = jax.random.normal(k1, (TARGET_DISC, EMB_DIM), dtype=jnp.float32)
    target_y_emb = jax.random.normal(k2, (TARGET_DISC, EMB_DIM), dtype=jnp.float32)
    speed_emb = jax.random.normal(k3, (SPEED_DISC, EMB_DIM), dtype=jnp.float32)
    road_option_emb = jax.random.normal(k4, (MAX_ROAD_OPTIONS, EMB_DIM), dtype=jnp.float32)
    return {
        "metrics": metrics,
        "target_x_emb": target_x_emb,
        "target_y_emb": target_y_emb,
        "speed_emb": speed_emb,
        "road_option_emb": road_option_emb,
    }


def reference(metrics, target_x_emb, target_y_emb, speed_emb, road_option_emb):
    # np.digitize(x, bins) for increasing bins == searchsorted(bins, x, side='right')
    target_buckets = jnp.linspace(-0.001, 0.001, TARGET_DISC)
    target_x_disc = jnp.searchsorted(target_buckets, metrics[:, 0], side='right')
    target_y_disc = jnp.searchsorted(target_buckets, metrics[:, 1], side='right')
    target_x_features = jnp.take(target_x_emb, target_x_disc, axis=0)
    target_y_features = jnp.take(target_y_emb, target_y_disc, axis=0)

    speed_buckets = jnp.linspace(-60.0, 60.0, SPEED_DISC)
    speed_disc = jnp.searchsorted(speed_buckets, metrics[:, 2], side='right')
    speed_features = jnp.take(speed_emb, speed_disc, axis=0)

    road_option_idx = metrics[:, 3].astype(jnp.int32)
    road_option_features = jnp.take(road_option_emb, road_option_idx, axis=0)

    metrics_transformed = jnp.concatenate(
        [target_x_features, target_y_features, speed_features, road_option_features],
        axis=1,
    )
    return (metrics_transformed, metrics_transformed)

if __name__ == "__main__":
    import jax
    _d = setup_inputs()
    print(jax.jit(kernel)(*tuple(_d.values())))

</pallas_src>

<mosaic_0001>
#map = affine_map<(d0, d1) -> (0, 0)>
module attributes {stable_mosaic.version = 14 : i64} {
  func.func @_sc_body(%arg0: i32, %arg1: i32, %arg2: memref<4x16384xf32, #tpu.memory_space<hbm>>, %arg3: memref<8x3016xf32, #tpu.memory_space<hbm>>, %arg4: memref<4x1000xf32, #tpu.memory_space<hbm>>, %arg5: memref<32x16384xf32, #tpu.memory_space<hbm>>, %arg6: memref<2048xf32, #tpu.memory_space<vmem>>, %arg7: memref<8x1000xf32, #tpu.memory_space<vmem>>, %arg8: memref<1000xf32, #tpu.memory_space<vmem>>, %arg9: memref<8x2048xf32, #tpu.memory_space<vmem>>, %arg10: memref<!tpu.dma_semaphore, #tpu.memory_space<semaphore_mem>>) attributes {dimension_semantics = [#tpu.dimension_semantics<core_parallel>, #tpu.dimension_semantics<subcore_parallel>], iteration_bounds = array<i64: 2, 16>, scalar_prefetch = 0 : i64, scratch_operands = 5 : i64, tpu.core_type = #tpu.core_type<sc_vector_subcore>, window_params = [{transform_indices = #map}, {transform_indices = #map}, {transform_indices = #map}, {transform_indices = #map}]} {
    %mul3A = arith.constant 2 : i32
    %mul3A_0 = arith.muli %arg1, %mul3A : i32
    %add3A = arith.addi %mul3A_0, %arg0 : i32
    %rem3A = arith.constant 4 : i32
    %rem3A_1 = arith.remsi %add3A, %rem3A : i32
    %div3A = arith.constant 4 : i32
    %div3A_2 = arith.divsi %add3A, %div3A : i32
    %mul3A_3 = arith.constant 2048 : i32
    %mul3A_4 = arith.muli %div3A_2, %mul3A_3 : i32
    %eq3A = arith.constant 3 : i32
    %eq3A_5 = arith.cmpi eq, %rem3A_1, %eq3A : i32
    "tpu.trace_start"() <{level = 10 : i32, message = "in_dma"}> : () -> ()
    %dma_start3A = tpu.memref_slice %arg2[%rem3A_1, %mul3A_4] : memref<4x16384xf32, #tpu.memory_space<hbm>> -> memref<1x2048xf32, #tpu.memory_space<hbm>>
    %dma_start3A_6 = tpu.memref_squeeze %dma_start3A : memref<1x2048xf32, #tpu.memory_space<hbm>> -> memref<2048xf32, #tpu.memory_space<hbm>>
    %dma_start3A_7 = tpu.memref_slice %arg2[%rem3A_1, %mul3A_4] : memref<4x16384xf32, #tpu.memory_space<hbm>> -> memref<1x2048xf32, #tpu.memory_space<hbm>>
    %dma_start3A_8 = tpu.memref_squeeze %dma_start3A_7 : memref<1x2048xf32, #tpu.memory_space<hbm>> -> memref<2048xf32, #tpu.memory_space<hbm>>
    tpu.enqueue_dma source(%dma_start3A_8 : memref<2048xf32, #tpu.memory_space<hbm>>) target(%arg6 : memref<2048xf32, #tpu.memory_space<vmem>>) target_semaphore(%arg10 : memref<!tpu.dma_semaphore, #tpu.memory_space<semaphore_mem>>)
    %dma_start3A_9 = arith.constant 0 : i32
    %dma_start3A_10 = tpu.memref_slice %arg4[%rem3A_1, %dma_start3A_9] : memref<4x1000xf32, #tpu.memory_space<hbm>> -> memref<1x1000xf32, #tpu.memory_space<hbm>>
    %dma_start3A_11 = tpu.memref_squeeze %dma_start3A_10 : memref<1x1000xf32, #tpu.memory_space<hbm>> -> memref<1000xf32, #tpu.memory_space<hbm>>
    %dma_start3A_12 = arith.constant 0 : i32
    %dma_start3A_13 = tpu.memref_slice %arg4[%rem3A_1, %dma_start3A_12] : memref<4x1000xf32, #tpu.memory_space<hbm>> -> memref<1x1000xf32, #tpu.memory_space<hbm>>
    %dma_start3A_14 = tpu.memref_squeeze %dma_start3A_13 : memref<1x1000xf32, #tpu.memory_space<hbm>> -> memref<1000xf32, #tpu.memory_space<hbm>>
    tpu.enqueue_dma source(%dma_start3A_14 : memref<1000xf32, #tpu.memory_space<hbm>>) target(%arg8 : memref<1000xf32, #tpu.memory_space<vmem>>) target_semaphore(%arg10 : memref<!tpu.dma_semaphore, #tpu.memory_space<semaphore_mem>>)
    %mul3A_15 = arith.constant 1000 : i32
    %mul3A_16 = arith.muli %rem3A_1, %mul3A_15 : i32
    %jit3A = arith.constant 2016 : i32
    %select_n3A = arith.select %eq3A_5, %jit3A, %mul3A_16 : i32
    %add3A_17 = arith.constant 0 : i32
    %add3A_18 = arith.addi %add3A_17, %add3A : i32
    %rem3A_19 = arith.constant 4 : i32
    %rem3A_20 = arith.remsi %add3A_18, %rem3A_19 : i32
    %mul3A_21 = arith.constant 2 : i32
    %mul3A_22 = arith.muli %rem3A_20, %mul3A_21 : i32
    %dma_start3A_23 = arith.constant 0 : i32
    %dma_start3A_24 = tpu.memref_slice %arg7[%mul3A_22, %dma_start3A_23] : memref<8x1000xf32, #tpu.memory_space<vmem>> -> memref<2x1000xf32, #tpu.memory_space<vmem>>
    %dma_start3A_25 = tpu.memref_slice %arg3[%mul3A_22, %select_n3A] : memref<8x3016xf32, #tpu.memory_space<hbm>> -> memref<2x1000xf32, #tpu.memory_space<hbm>>
    %dma_start3A_26 = arith.constant 0 : i32
    %dma_start3A_27 = tpu.memref_slice %arg7[%mul3A_22, %dma_start3A_26] : memref<8x1000xf32, #tpu.memory_space<vmem>> -> memref<2x1000xf32, #tpu.memory_space<vmem>>
    %dma_start3A_28 = tpu.memref_slice %arg3[%mul3A_22, %select_n3A] : memref<8x3016xf32, #tpu.memory_space<hbm>> -> memref<2x1000xf32, #tpu.memory_space<hbm>>
    tpu.enqueue_dma source(%dma_start3A_28 : memref<2x1000xf32, #tpu.memory_space<hbm>>) target(%dma_start3A_27 : memref<2x1000xf32, #tpu.memory_space<vmem>>) target_semaphore(%arg10 : memref<!tpu.dma_semaphore, #tpu.memory_space<semaphore_mem>>)
    %add3A_29 = arith.constant 1 : i32
    %add3A_30 = arith.addi %add3A_29, %add3A : i32
    %rem3A_31 = arith.constant 4 : i32
    %rem3A_32 = arith.remsi %add3A_30, %rem3A_31 : i32
    %mul3A_33 = arith.constant 2 : i32
    %mul3A_34 = arith.muli %rem3A_32, %mul3A_33 : i32
    %dma_start3A_35 = arith.constant 0 : i32
    %dma_start3A_36 = tpu.memref_slice %arg7[%mul3A_34, %dma_start3A_35] : memref<8x1000xf32, #tpu.memory_space<vmem>> -> memref<2x1000xf32, #tpu.memory_space<vmem>>
    %dma_start3A_37 = tpu.memref_slice %arg3[%mul3A_34, %select_n3A] : memref<8x3016xf32, #tpu.memory_space<hbm>> -> memref<2x1000xf32, #tpu.memory_space<hbm>>
    %dma_start3A_38 = arith.constant 0 : i32
    %dma_start3A_39 = tpu.memref_slice %arg7[%mul3A_34, %dma_start3A_38] : memref<8x1000xf32, #tpu.memory_space<vmem>> -> memref<2x1000xf32, #tpu.memory_space<vmem>>
    %dma_start3A_40 = tpu.memref_slice %arg3[%mul3A_34, %select_n3A] : memref<8x3016xf32, #tpu.memory_space<hbm>> -> memref<2x1000xf32, #tpu.memory_space<hbm>>
    tpu.enqueue_dma source(%dma_start3A_40 : memref<2x1000xf32, #tpu.memory_space<hbm>>) target(%dma_start3A_39 : memref<2x1000xf32, #tpu.memory_space<vmem>>) target_semaphore(%arg10 : memref<!tpu.dma_semaphore, #tpu.memory_space<semaphore_mem>>)
    %add3A_41 = arith.constant 2 : i32
    %add3A_42 = arith.addi %add3A_41, %add3A : i32
    %rem3A_43 = arith.constant 4 : i32
    %rem3A_44 = arith.remsi %add3A_42, %rem3A_43 : i32
    %mul3A_45 = arith.constant 2 : i32
    %mul3A_46 = arith.muli %rem3A_44, %mul3A_45 : i32
    %dma_start3A_47 = arith.constant 0 : i32
    %dma_start3A_48 = tpu.memref_slice %arg7[%mul3A_46, %dma_start3A_47] : memref<8x1000xf32, #tpu.memory_space<vmem>> -> memref<2x1000xf32, #tpu.memory_space<vmem>>
    %dma_start3A_49 = tpu.memref_slice %arg3[%mul3A_46, %select_n3A] : memref<8x3016xf32, #tpu.memory_space<hbm>> -> memref<2x1000xf32, #tpu.memory_space<hbm>>
    %dma_start3A_50 = arith.constant 0 : i32
    %dma_start3A_51 = tpu.memref_slice %arg7[%mul3A_46, %dma_start3A_50] : memref<8x1000xf32, #tpu.memory_space<vmem>> -> memref<2x1000xf32, #tpu.memory_space<vmem>>
    %dma_start3A_52 = tpu.memref_slice %arg3[%mul3A_46, %select_n3A] : memref<8x3016xf32, #tpu.memory_space<hbm>> -> memref<2x1000xf32, #tpu.memory_space<hbm>>
    tpu.enqueue_dma source(%dma_start3A_52 : memref<2x1000xf32, #tpu.memory_space<hbm>>) target(%dma_start3A_51 : memref<2x1000xf32, #tpu.memory_space<vmem>>) target_semaphore(%arg10 : memref<!tpu.dma_semaphore, #tpu.memory_space<semaphore_mem>>)
    %add3A_53 = arith.constant 3 : i32
    %add3A_54 = arith.addi %add3A_53, %add3A : i32
    %rem3A_55 = arith.constant 4 : i32
    %rem3A_56 = arith.remsi %add3A_54, %rem3A_55 : i32
    %mul3A_57 = arith.constant 2 : i32
    %mul3A_58 = arith.muli %rem3A_56, %mul3A_57 : i32
    %dma_start3A_59 = arith.constant 0 : i32
    %dma_start3A_60 = tpu.memref_slice %arg7[%mul3A_58, %dma_start3A_59] : memref<8x1000xf32, #tpu.memory_space<vmem>> -> memref<2x1000xf32, #tpu.memory_space<vmem>>
    %dma_start3A_61 = tpu.memref_slice %arg3[%mul3A_58, %select_n3A] : memref<8x3016xf32, #tpu.memory_space<hbm>> -> memref<2x1000xf32, #tpu.memory_space<hbm>>
    %dma_start3A_62 = arith.constant 0 : i32
    %dma_start3A_63 = tpu.memref_slice %arg7[%mul3A_58, %dma_start3A_62] : memref<8x1000xf32, #tpu.memory_space<vmem>> -> memref<2x1000xf32, #tpu.memory_space<vmem>>
    %dma_start3A_64 = tpu.memref_slice %arg3[%mul3A_58, %select_n3A] : memref<8x3016xf32, #tpu.memory_space<hbm>> -> memref<2x1000xf32, #tpu.memory_space<hbm>>
    tpu.enqueue_dma source(%dma_start3A_64 : memref<2x1000xf32, #tpu.memory_space<hbm>>) target(%dma_start3A_63 : memref<2x1000xf32, #tpu.memory_space<vmem>>) target_semaphore(%arg10 : memref<!tpu.dma_semaphore, #tpu.memory_space<semaphore_mem>>)
    %dma_wait3A = tpu.memref_slice %arg2[%rem3A_1, %mul3A_4] : memref<4x16384xf32, #tpu.memory_space<hbm>> -> memref<1x2048xf32, #tpu.memory_space<hbm>>
    %dma_wait3A_65 = tpu.memref_squeeze %dma_wait3A : memref<1x2048xf32, #tpu.memory_space<hbm>> -> memref<2048xf32, #tpu.memory_space<hbm>>
    %dma_wait3A_66 = tpu.memref_slice %arg2[%rem3A_1, %mul3A_4] : memref<4x16384xf32, #tpu.memory_space<hbm>> -> memref<1x2048xf32, #tpu.memory_space<hbm>>
    %dma_wait3A_67 = tpu.memref_squeeze %dma_wait3A_66 : memref<1x2048xf32, #tpu.memory_space<hbm>> -> memref<2048xf32, #tpu.memory_space<hbm>>
    tpu.wait_dma2 semaphore(%arg10 : memref<!tpu.dma_semaphore, #tpu.memory_space<semaphore_mem>>) src(%dma_wait3A_67 : memref<2048xf32, #tpu.memory_space<hbm>>) dst(%arg6 : memref<2048xf32, #tpu.memory_space<vmem>>)
    %dma_wait3A_68 = arith.constant 0 : i32
    %dma_wait3A_69 = tpu.memref_slice %arg4[%rem3A_1, %dma_wait3A_68] : memref<4x1000xf32, #tpu.memory_space<hbm>> -> memref<1x1000xf32, #tpu.memory_space<hbm>>
    %dma_wait3A_70 = tpu.memref_squeeze %dma_wait3A_69 : memref<1x1000xf32, #tpu.memory_space<hbm>> -> memref<1000xf32, #tpu.memory_space<hbm>>
    %dma_wait3A_71 = arith.constant 0 : i32
    %dma_wait3A_72 = tpu.memref_slice %arg4[%rem3A_1, %dma_wait3A_71] : memref<4x1000xf32, #tpu.memory_space<hbm>> -> memref<1x1000xf32, #tpu.memory_space<hbm>>
    %dma_wait3A_73 = tpu.memref_squeeze %dma_wait3A_72 : memref<1x1000xf32, #tpu.memory_space<hbm>> -> memref<1000xf32, #tpu.memory_space<hbm>>
    tpu.wait_dma2 semaphore(%arg10 : memref<!tpu.dma_semaphore, #tpu.memory_space<semaphore_mem>>) src(%dma_wait3A_73 : memref<1000xf32, #tpu.memory_space<hbm>>) dst(%arg8 : memref<1000xf32, #tpu.memory_space<vmem>>)
    %dma_wait3A_74 = arith.constant 0 : i32
    %dma_wait3A_75 = tpu.memref_slice %arg7[%mul3A_22, %dma_wait3A_74] : memref<8x1000xf32, #tpu.memory_space<vmem>> -> memref<2x1000xf32, #tpu.memory_space<vmem>>
    %dma_wait3A_76 = tpu.memref_slice %arg3[%mul3A_22, %select_n3A] : memref<8x3016xf32, #tpu.memory_space<hbm>> -> memref<2x1000xf32, #tpu.memory_space<hbm>>
    %dma_wait3A_77 = arith.constant 0 : i32
    %dma_wait3A_78 = tpu.memref_slice %arg7[%mul3A_22, %dma_wait3A_77] : memref<8x1000xf32, #tpu.memory_space<vmem>> -> memref<2x1000xf32, #tpu.memory_space<vmem>>
    %dma_wait3A_79 = tpu.memref_slice %arg3[%mul3A_22, %select_n3A] : memref<8x3016xf32, #tpu.memory_space<hbm>> -> memref<2x1000xf32, #tpu.memory_space<hbm>>
    tpu.wait_dma2 semaphore(%arg10 : memref<!tpu.dma_semaphore, #tpu.memory_space<semaphore_mem>>) src(%dma_wait3A_79 : memref<2x1000xf32, #tpu.memory_space<hbm>>) dst(%dma_wait3A_78 : memref<2x1000xf32, #tpu.memory_space<vmem>>)
    %dma_wait3A_80 = arith.constant 0 : i32
    %dma_wait3A_81 = tpu.memref_slice %arg7[%mul3A_34, %dma_wait3A_80] : memref<8x1000xf32, #tpu.memory_space<vmem>> -> memref<2x1000xf32, #tpu.memory_space<vmem>>
    %dma_wait3A_82 = tpu.memref_slice %arg3[%mul3A_34, %select_n3A] : memref<8x3016xf32, #tpu.memory_space<hbm>> -> memref<2x1000xf32, #tpu.memory_space<hbm>>
    %dma_wait3A_83 = arith.constant 0 : i32
    %dma_wait3A_84 = tpu.memref_slice %arg7[%mul3A_34, %dma_wait3A_83] : memref<8x1000xf32, #tpu.memory_space<vmem>> -> memref<2x1000xf32, #tpu.memory_space<vmem>>
    %dma_wait3A_85 = tpu.memref_slice %arg3[%mul3A_34, %select_n3A] : memref<8x3016xf32, #tpu.memory_space<hbm>> -> memref<2x1000xf32, #tpu.memory_space<hbm>>
    tpu.wait_dma2 semaphore(%arg10 : memref<!tpu.dma_semaphore, #tpu.memory_space<semaphore_mem>>) src(%dma_wait3A_85 : memref<2x1000xf32, #tpu.memory_space<hbm>>) dst(%dma_wait3A_84 : memref<2x1000xf32, #tpu.memory_space<vmem>>)
    %dma_wait3A_86 = arith.constant 0 : i32
    %dma_wait3A_87 = tpu.memref_slice %arg7[%mul3A_46, %dma_wait3A_86] : memref<8x1000xf32, #tpu.memory_space<vmem>> -> memref<2x1000xf32, #tpu.memory_space<vmem>>
    %dma_wait3A_88 = tpu.memref_slice %arg3[%mul3A_46, %select_n3A] : memref<8x3016xf32, #tpu.memory_space<hbm>> -> memref<2x1000xf32, #tpu.memory_space<hbm>>
    %dma_wait3A_89 = arith.constant 0 : i32
    %dma_wait3A_90 = tpu.memref_slice %arg7[%mul3A_46, %dma_wait3A_89] : memref<8x1000xf32, #tpu.memory_space<vmem>> -> memref<2x1000xf32, #tpu.memory_space<vmem>>
    %dma_wait3A_91 = tpu.memref_slice %arg3[%mul3A_46, %select_n3A] : memref<8x3016xf32, #tpu.memory_space<hbm>> -> memref<2x1000xf32, #tpu.memory_space<hbm>>
    tpu.wait_dma2 semaphore(%arg10 : memref<!tpu.dma_semaphore, #tpu.memory_space<semaphore_mem>>) src(%dma_wait3A_91 : memref<2x1000xf32, #tpu.memory_space<hbm>>) dst(%dma_wait3A_90 : memref<2x1000xf32, #tpu.memory_space<vmem>>)
    %dma_wait3A_92 = arith.constant 0 : i32
    %dma_wait3A_93 = tpu.memref_slice %arg7[%mul3A_58, %dma_wait3A_92] : memref<8x1000xf32, #tpu.memory_space<vmem>> -> memref<2x1000xf32, #tpu.memory_space<vmem>>
    %dma_wait3A_94 = tpu.memref_slice %arg3[%mul3A_58, %select_n3A] : memref<8x3016xf32, #tpu.memory_space<hbm>> -> memref<2x1000xf32, #tpu.memory_space<hbm>>
    %dma_wait3A_95 = arith.constant 0 : i32
    %dma_wait3A_96 = tpu.memref_slice %arg7[%mul3A_58, %dma_wait3A_95] : memref<8x1000xf32, #tpu.memory_space<vmem>> -> memref<2x1000xf32, #tpu.memory_space<vmem>>
    %dma_wait3A_97 = tpu.memref_slice %arg3[%mul3A_58, %select_n3A] : memref<8x3016xf32, #tpu.memory_space<hbm>> -> memref<2x1000xf32, #tpu.memory_space<hbm>>
    tpu.wait_dma2 semaphore(%arg10 : memref<!tpu.dma_semaphore, #tpu.memory_space<semaphore_mem>>) src(%dma_wait3A_97 : memref<2x1000xf32, #tpu.memory_space<hbm>>) dst(%dma_wait3A_96 : memref<2x1000xf32, #tpu.memory_space<vmem>>)
    %lt3A = arith.constant 2 : i32
    "tpu.trace_stop"() : () -> ()
    %lt3A_98 = arith.cmpi slt, %rem3A_1, %lt3A : i32
    %eq3A_99 = arith.constant 2 : i32
    %eq3A_100 = arith.cmpi eq, %rem3A_1, %eq3A_99 : i32
    %jit3A_101 = arith.constant -6.000000e+01 : f32
    %jit3A_102 = arith.constant 0.000000e+00 : f32
    %select_n3A_103 = arith.select %eq3A_100, %jit3A_101, %jit3A_102 : f32
    %jit3A_104 = arith.constant -1.000000e-03 : f32
    %select_n3A_105 = arith.select %lt3A_98, %jit3A_104, %select_n3A_103 : f32
    %lt3A_106 = arith.constant 2 : i32
    %lt3A_107 = arith.cmpi slt, %rem3A_1, %lt3A_106 : i32
    %eq3A_108 = arith.constant 2 : i32
    %eq3A_109 = arith.cmpi eq, %rem3A_1, %eq3A_108 : i32
    %jit3A_110 = arith.constant 8.3249998 : f32
    %jit3A_111 = arith.constant 1.000000e+00 : f32
    %select_n3A_112 = arith.select %eq3A_109, %jit3A_110, %jit3A_111 : f32
    %jit3A_113 = arith.constant 4.995000e+05 : f32
    %select_n3A_114 = arith.select %lt3A_107, %jit3A_113, %select_n3A_112 : f32
    %jit3A_115 = arith.constant 9 : i32
    %jit3A_116 = arith.constant 999 : i32
    %select_n3A_117 = arith.select %eq3A_5, %jit3A_115, %jit3A_116 : i32
    %broadcast_in_dim3A = vector.broadcast %eq3A_5 : i1 to vector<16xi1>
    %jit3A_118 = arith.constant 984 : i32
    %jit3A_119 = arith.constant 0 : i32
    %select_n3A_120 = arith.select %eq3A_5, %jit3A_118, %jit3A_119 : i32
    %parallel_loop3A = arith.constant 0 : i32
    %parallel_loop3A_121 = arith.constant 128 : i32
    %parallel_loop3A_122 = arith.constant 1 : i32
    "tpu.trace_start"() <{level = 10 : i32, message = "idx_gather"}> : () -> ()
    scf.for %parallel_loop3A_125 = %parallel_loop3A to %parallel_loop3A_121 step %parallel_loop3A_122  : i32 {
      %parallel_loop3A_126 = arith.constant 16 : i32
      %parallel_loop3A_127 = arith.muli %parallel_loop3A_125, %parallel_loop3A_126 : i32
      %parallel_loop3A_128 = arith.index_cast %parallel_loop3A_127 : i32 to index
      %parallel_loop3A_129 = tpu.vector_load %arg6[%parallel_loop3A_128] {strides = array<i32>} : memref<2048xf32, #tpu.memory_space<vmem>>, vector<16xf32>,
      %parallel_loop3A_130 = vector.broadcast %select_n3A_105 : f32 to vector<16xf32>
      %parallel_loop3A_131 = arith.subf %parallel_loop3A_129, %parallel_loop3A_130 : vector<16xf32>
      %parallel_loop3A_132 = vector.broadcast %select_n3A_114 : f32 to vector<16xf32>
      %parallel_loop3A_133 = arith.mulf %parallel_loop3A_131, %parallel_loop3A_132 : vector<16xf32>
      %parallel_loop3A_134 = arith.constant -1.000000e+00 : f32
      %parallel_loop3A_135 = arith.constant 1.000000e+03 : f32
      %parallel_loop3A_136 = vector.broadcast %parallel_loop3A_134 : f32 to vector<16xf32>
      %parallel_loop3A_137 = arith.maximumf %parallel_loop3A_136, %parallel_loop3A_133 : vector<16xf32>
      %parallel_loop3A_138 = vector.broadcast %parallel_loop3A_135 : f32 to vector<16xf32>
      %parallel_loop3A_139 = arith.minimumf %parallel_loop3A_138, %parallel_loop3A_137 : vector<16xf32>
      %parallel_loop3A_140 = arith.constant 1.000000e+00 : f32
      %parallel_loop3A_141 = vector.broadcast %parallel_loop3A_140 : f32 to vector<16xf32>
      %parallel_loop3A_142 = arith.addf %parallel_loop3A_139, %parallel_loop3A_141 : vector<16xf32>
      %parallel_loop3A_143 = arith.fptosi %parallel_loop3A_142 : vector<16xf32> to vector<16xi32>
      %parallel_loop3A_144 = arith.constant 0 : i32
      %parallel_loop3A_145 = arith.constant 1000 : i32
      %parallel_loop3A_146 = vector.broadcast %parallel_loop3A_144 : i32 to vector<16xi32>
      %parallel_loop3A_147 = arith.maxsi %parallel_loop3A_146, %parallel_loop3A_143 : vector<16xi32>
      %parallel_loop3A_148 = vector.broadcast %parallel_loop3A_145 : i32 to vector<16xi32>
      %parallel_loop3A_149 = arith.minsi %parallel_loop3A_148, %parallel_loop3A_147 : vector<16xi32>
      %parallel_loop3A_150 = arith.constant 0 : i32
      %parallel_loop3A_151 = arith.constant 999 : i32
      %parallel_loop3A_152 = vector.broadcast %parallel_loop3A_150 : i32 to vector<16xi32>
      %parallel_loop3A_153 = arith.maxsi %parallel_loop3A_152, %parallel_loop3A_149 : vector<16xi32>
      %parallel_loop3A_154 = vector.broadcast %parallel_loop3A_151 : i32 to vector<16xi32>
      %parallel_loop3A_155 = arith.minsi %parallel_loop3A_154, %parallel_loop3A_153 : vector<16xi32>
      %parallel_loop3A_156 = tpu.vector_load_idx %arg8[%parallel_loop3A_155] : memref<1000xf32, #tpu.memory_space<vmem>>[vector<16xi32>], vector<16xf32>,
      %parallel_loop3A_157 = arith.constant 1 : i32
      %parallel_loop3A_158 = vector.broadcast %parallel_loop3A_157 : i32 to vector<16xi32>
      %parallel_loop3A_159 = arith.subi %parallel_loop3A_149, %parallel_loop3A_158 : vector<16xi32>
      %parallel_loop3A_160 = arith.constant 0 : i32
      %parallel_loop3A_161 = arith.constant 999 : i32
      %parallel_loop3A_162 = vector.broadcast %parallel_loop3A_160 : i32 to vector<16xi32>
      %parallel_loop3A_163 = arith.maxsi %parallel_loop3A_162, %parallel_loop3A_159 : vector<16xi32>
      %parallel_loop3A_164 = vector.broadcast %parallel_loop3A_161 : i32 to vector<16xi32>
      %parallel_loop3A_165 = arith.minsi %parallel_loop3A_164, %parallel_loop3A_163 : vector<16xi32>
      %parallel_loop3A_166 = tpu.vector_load_idx %arg8[%parallel_loop3A_165] : memref<1000xf32, #tpu.memory_space<vmem>>[vector<16xi32>], vector<16xf32>,
      %parallel_loop3A_167 = arith.constant 1 : i32
      %parallel_loop3A_168 = vector.broadcast %parallel_loop3A_167 : i32 to vector<16xi32>
      %parallel_loop3A_169 = arith.constant 0 : i32
      %parallel_loop3A_170 = vector.broadcast %parallel_loop3A_169 : i32 to vector<16xi32>
      %parallel_loop3A_171 = arith.constant 1000 : i32
      %parallel_loop3A_172 = vector.broadcast %parallel_loop3A_171 : i32 to vector<16xi32>
      %parallel_loop3A_173 = arith.cmpi slt, %parallel_loop3A_149, %parallel_loop3A_172 : vector<16xi32>
      %parallel_loop3A_174 = arith.cmpf ole, %parallel_loop3A_156, %parallel_loop3A_129 : vector<16xf32>
      %parallel_loop3A_175 = arith.andi %parallel_loop3A_173, %parallel_loop3A_174 : vector<16xi1>
      %parallel_loop3A_176 = arith.select %parallel_loop3A_175, %parallel_loop3A_168, %parallel_loop3A_170 : vector<16xi1>, vector<16xi32>
      %parallel_loop3A_177 = arith.constant 0 : i32
      %parallel_loop3A_178 = vector.broadcast %parallel_loop3A_177 : i32 to vector<16xi32>
      %parallel_loop3A_179 = arith.cmpi sgt, %parallel_loop3A_149, %parallel_loop3A_178 : vector<16xi32>
      %parallel_loop3A_180 = arith.cmpf ogt, %parallel_loop3A_166, %parallel_loop3A_129 : vector<16xf32>
      %parallel_loop3A_181 = arith.andi %parallel_loop3A_179, %parallel_loop3A_180 : vector<16xi1>
      %parallel_loop3A_182 = arith.select %parallel_loop3A_181, %parallel_loop3A_168, %parallel_loop3A_170 : vector<16xi1>, vector<16xi32>
      %parallel_loop3A_183 = arith.addi %parallel_loop3A_149, %parallel_loop3A_176 : vector<16xi32>
      %parallel_loop3A_184 = arith.subi %parallel_loop3A_183, %parallel_loop3A_182 : vector<16xi32>
      %parallel_loop3A_185 = arith.fptosi %parallel_loop3A_129 : vector<16xf32> to vector<16xi32>
      %parallel_loop3A_186 = arith.select %broadcast_in_dim3A, %parallel_loop3A_185, %parallel_loop3A_184 : vector<16xi1>, vector<16xi32>
      %parallel_loop3A_187 = arith.constant 0 : i32
      %parallel_loop3A_188 = vector.broadcast %parallel_loop3A_187 : i32 to vector<16xi32>
      %parallel_loop3A_189 = arith.maxsi %parallel_loop3A_188, %parallel_loop3A_186 : vector<16xi32>
      %parallel_loop3A_190 = vector.broadcast %select_n3A_117 : i32 to vector<16xi32>
      %parallel_loop3A_191 = arith.minsi %parallel_loop3A_190, %parallel_loop3A_189 : vector<16xi32>
      %parallel_loop3A_192 = vector.broadcast %select_n3A_120 : i32 to vector<16xi32>
      %parallel_loop3A_193 = arith.addi %parallel_loop3A_191, %parallel_loop3A_192 : vector<16xi32>
      %parallel_loop3A_194 = arith.constant 16 : i32
      %parallel_loop3A_195 = arith.muli %parallel_loop3A_125, %parallel_loop3A_194 : i32
      %parallel_loop3A_196 = arith.constant 0 : i32
      %parallel_loop3A_197 = vector.broadcast %parallel_loop3A_196 : i32 to vector<16xi32>
      %parallel_loop3A_198 = tpu.vector_load_idx %arg7[%parallel_loop3A_197, %parallel_loop3A_193] : memref<8x1000xf32, #tpu.memory_space<vmem>>[vector<16xi32>, vector<16xi32>], vector<16xf32>,
      %parallel_loop3A_199 = arith.constant 0 : i32
      %parallel_loop3A_200 = arith.index_cast %parallel_loop3A_199 : i32 to index
      %parallel_loop3A_201 = arith.index_cast %parallel_loop3A_195 : i32 to index
      %parallel_loop3A_202 = tpu.vector_load %arg9[%parallel_loop3A_200, %parallel_loop3A_201] {strides = array<i32>} : memref<8x2048xf32, #tpu.memory_space<vmem>>, vector<16xf32>,
      tpu.vector_store %arg9[%parallel_loop3A_200, %parallel_loop3A_201], %parallel_loop3A_198 {strides = array<i32>} : memref<8x2048xf32, #tpu.memory_space<vmem>>, vector<16xf32>,
      %parallel_loop3A_203 = arith.constant 1 : i32
      %parallel_loop3A_204 = vector.broadcast %parallel_loop3A_203 : i32 to vector<16xi32>
      %parallel_loop3A_205 = tpu.vector_load_idx %arg7[%parallel_loop3A_204, %parallel_loop3A_193] : memref<8x1000xf32, #tpu.memory_space<vmem>>[vector<16xi32>, vector<16xi32>], vector<16xf32>,
      %parallel_loop3A_206 = arith.constant 1 : i32
      %parallel_loop3A_207 = arith.index_cast %parallel_loop3A_206 : i32 to index
      %parallel_loop3A_208 = arith.index_cast %parallel_loop3A_195 : i32 to index
      %parallel_loop3A_209 = tpu.vector_load %arg9[%parallel_loop3A_207, %parallel_loop3A_208] {strides = array<i32>} : memref<8x2048xf32, #tpu.memory_space<vmem>>, vector<16xf32>,
      tpu.vector_store %arg9[%parallel_loop3A_207, %parallel_loop3A_208], %parallel_loop3A_205 {strides = array<i32>} : memref<8x2048xf32, #tpu.memory_space<vmem>>, vector<16xf32>,
      %parallel_loop3A_210 = arith.constant 2 : i32
      %parallel_loop3A_211 = vector.broadcast %parallel_loop3A_210 : i32 to vector<16xi32>
      %parallel_loop3A_212 = tpu.vector_load_idx %arg7[%parallel_loop3A_211, %parallel_loop3A_193] : memref<8x1000xf32, #tpu.memory_space<vmem>>[vector<16xi32>, vector<16xi32>], vector<16xf32>,
      %parallel_loop3A_213 = arith.constant 2 : i32
      %parallel_loop3A_214 = arith.index_cast %parallel_loop3A_213 : i32 to index
      %parallel_loop3A_215 = arith.index_cast %parallel_loop3A_195 : i32 to index
      %parallel_loop3A_216 = tpu.vector_load %arg9[%parallel_loop3A_214, %parallel_loop3A_215] {strides = array<i32>} : memref<8x2048xf32, #tpu.memory_space<vmem>>, vector<16xf32>,
      tpu.vector_store %arg9[%parallel_loop3A_214, %parallel_loop3A_215], %parallel_loop3A_212 {strides = array<i32>} : memref<8x2048xf32, #tpu.memory_space<vmem>>, vector<16xf32>,
      %parallel_loop3A_217 = arith.constant 3 : i32
      %parallel_loop3A_218 = vector.broadcast %parallel_loop3A_217 : i32 to vector<16xi32>
      %parallel_loop3A_219 = tpu.vector_load_idx %arg7[%parallel_loop3A_218, %parallel_loop3A_193] : memref<8x1000xf32, #tpu.memory_space<vmem>>[vector<16xi32>, vector<16xi32>], vector<16xf32>,
      %parallel_loop3A_220 = arith.constant 3 : i32
      %parallel_loop3A_221 = arith.index_cast %parallel_loop3A_220 : i32 to index
      %parallel_loop3A_222 = arith.index_cast %parallel_loop3A_195 : i32 to index
      %parallel_loop3A_223 = tpu.vector_load %arg9[%parallel_loop3A_221, %parallel_loop3A_222] {strides = array<i32>} : memref<8x2048xf32, #tpu.memory_space<vmem>>, vector<16xf32>,
      tpu.vector_store %arg9[%parallel_loop3A_221, %parallel_loop3A_222], %parallel_loop3A_219 {strides = array<i32>} : memref<8x2048xf32, #tpu.memory_space<vmem>>, vector<16xf32>,
      %parallel_loop3A_224 = arith.constant 4 : i32
      %parallel_loop3A_225 = vector.broadcast %parallel_loop3A_224 : i32 to vector<16xi32>
      %parallel_loop3A_226 = tpu.vector_load_idx %arg7[%parallel_loop3A_225, %parallel_loop3A_193] : memref<8x1000xf32, #tpu.memory_space<vmem>>[vector<16xi32>, vector<16xi32>], vector<16xf32>,
      %parallel_loop3A_227 = arith.constant 4 : i32
      %parallel_loop3A_228 = arith.index_cast %parallel_loop3A_227 : i32 to index
      %parallel_loop3A_229 = arith.index_cast %parallel_loop3A_195 : i32 to index
      %parallel_loop3A_230 = tpu.vector_load %arg9[%parallel_loop3A_228, %parallel_loop3A_229] {strides = array<i32>} : memref<8x2048xf32, #tpu.memory_space<vmem>>, vector<16xf32>,
      tpu.vector_store %arg9[%parallel_loop3A_228, %parallel_loop3A_229], %parallel_loop3A_226 {strides = array<i32>} : memref<8x2048xf32, #tpu.memory_space<vmem>>, vector<16xf32>,
      %parallel_loop3A_231 = arith.constant 5 : i32
      %parallel_loop3A_232 = vector.broadcast %parallel_loop3A_231 : i32 to vector<16xi32>
      %parallel_loop3A_233 = tpu.vector_load_idx %arg7[%parallel_loop3A_232, %parallel_loop3A_193] : memref<8x1000xf32, #tpu.memory_space<vmem>>[vector<16xi32>, vector<16xi32>], vector<16xf32>,
      %parallel_loop3A_234 = arith.constant 5 : i32
      %parallel_loop3A_235 = arith.index_cast %parallel_loop3A_234 : i32 to index
      %parallel_loop3A_236 = arith.index_cast %parallel_loop3A_195 : i32 to index
      %parallel_loop3A_237 = tpu.vector_load %arg9[%parallel_loop3A_235, %parallel_loop3A_236] {strides = array<i32>} : memref<8x2048xf32, #tpu.memory_space<vmem>>, vector<16xf32>,
      tpu.vector_store %arg9[%parallel_loop3A_235, %parallel_loop3A_236], %parallel_loop3A_233 {strides = array<i32>} : memref<8x2048xf32, #tpu.memory_space<vmem>>, vector<16xf32>,
      %parallel_loop3A_238 = arith.constant 6 : i32
      %parallel_loop3A_239 = vector.broadcast %parallel_loop3A_238 : i32 to vector<16xi32>
      %parallel_loop3A_240 = tpu.vector_load_idx %arg7[%parallel_loop3A_239, %parallel_loop3A_193] : memref<8x1000xf32, #tpu.memory_space<vmem>>[vector<16xi32>, vector<16xi32>], vector<16xf32>,
      %parallel_loop3A_241 = arith.constant 6 : i32
      %parallel_loop3A_242 = arith.index_cast %parallel_loop3A_241 : i32 to index
      %parallel_loop3A_243 = arith.index_cast %parallel_loop3A_195 : i32 to index
      %parallel_loop3A_244 = tpu.vector_load %arg9[%parallel_loop3A_242, %parallel_loop3A_243] {strides = array<i32>} : memref<8x2048xf32, #tpu.memory_space<vmem>>, vector<16xf32>,
      tpu.vector_store %arg9[%parallel_loop3A_242, %parallel_loop3A_243], %parallel_loop3A_240 {strides = array<i32>} : memref<8x2048xf32, #tpu.memory_space<vmem>>, vector<16xf32>,
      %parallel_loop3A_245 = arith.constant 7 : i32
      %parallel_loop3A_246 = vector.broadcast %parallel_loop3A_245 : i32 to vector<16xi32>
      %parallel_loop3A_247 = tpu.vector_load_idx %arg7[%parallel_loop3A_246, %parallel_loop3A_193] : memref<8x1000xf32, #tpu.memory_space<vmem>>[vector<16xi32>, vector<16xi32>], vector<16xf32>,
      %parallel_loop3A_248 = arith.constant 7 : i32
      %parallel_loop3A_249 = arith.index_cast %parallel_loop3A_248 : i32 to index
      %parallel_loop3A_250 = arith.index_cast %parallel_loop3A_195 : i32 to index
      %parallel_loop3A_251 = tpu.vector_load %arg9[%parallel_loop3A_249, %parallel_loop3A_250] {strides = array<i32>} : memref<8x2048xf32, #tpu.memory_space<vmem>>, vector<16xf32>,
      tpu.vector_store %arg9[%parallel_loop3A_249, %parallel_loop3A_250], %parallel_loop3A_247 {strides = array<i32>} : memref<8x2048xf32, #tpu.memory_space<vmem>>, vector<16xf32>,
    } {sc.loop_unroll_factor = 4 : i64, sc.parallel_access}
    "tpu.trace_stop"() : () -> ()
    "tpu.trace_start"() <{level = 10 : i32, message = "out_dma"}> : () -> ()
    %mul3A_123 = arith.constant 8 : i32
    %mul3A_124 = arith.muli %rem3A_1, %mul3A_123 : i32
    "tpu.region"() ({
      %run_scoped3A = tpu.sem_alloc : memref<!tpu.dma_semaphore, #tpu.memory_space<semaphore_mem>>
      %dma_start3A_125 = tpu.memref_slice %arg5[%mul3A_124, %mul3A_4] : memref<32x16384xf32, #tpu.memory_space<hbm>> -> memref<8x2048xf32, #tpu.memory_space<hbm>>
      %dma_start3A_126 = tpu.memref_slice %arg5[%mul3A_124, %mul3A_4] : memref<32x16384xf32, #tpu.memory_space<hbm>> -> memref<8x2048xf32, #tpu.memory_space<hbm>>
      tpu.enqueue_dma source(%arg9 : memref<8x2048xf32, #tpu.memory_space<vmem>>) target(%dma_start3A_126 : memref<8x2048xf32, #tpu.memory_space<hbm>>) target_semaphore(%run_scoped3A : memref<!tpu.dma_semaphore, #tpu.memory_space<semaphore_mem>>)
      %dma_wait3A_127 = tpu.memref_slice %arg5[%mul3A_124, %mul3A_4] : memref<32x16384xf32, #tpu.memory_space<hbm>> -> memref<8x2048xf32, #tpu.memory_space<hbm>>
      %dma_wait3A_128 = tpu.memref_slice %arg5[%mul3A_124, %mul3A_4] : memref<32x16384xf32, #tpu.memory_space<hbm>> -> memref<8x2048xf32, #tpu.memory_space<hbm>>
      tpu.wait_dma2 semaphore(%run_scoped3A : memref<!tpu.dma_semaphore, #tpu.memory_space<semaphore_mem>>) src(%arg9 : memref<8x2048xf32, #tpu.memory_space<vmem>>) dst(%dma_wait3A_128 : memref<8x2048xf32, #tpu.memory_space<hbm>>)
      tpu.yield
    }) : () -> ()
    "tpu.trace_stop"() : () -> ()
    return
  }
}

</mosaic_0001>

<sc_bundles>
// kernel: kernel.3.cloned.1.call-start
scs
__scs_entry_jumppad:
0x0: {  	(pc) =	sbr.rel $0x88, $3  }
0x1: {  	(tag) =	ssettag $0x0;
	lr =	simm.s32 $0x1  }
0x2: {  	[smem:$0x3F9C] =	sst lr;
	_ =	strace $0xD0000000  }
0x3: {  	_ = 	snop  }
0x4: {  	_ = 	snop  }
0x5: {  	_ = 	snop  }
0x6: {  	_ = 	snop  }
0x7: {  	_ = 	snop  }
__scs_overlays_trampoline_lowered:
0x8: {  	[smem:$0x3FAB] =	sst s0  }
0x9: {  	[smem:$0x3FAC] =	sst s1  }
0xa: {  	[smem:$0x3FAD] =	sst s2  }
0xb: {  	[smem:$0x3FAE] =	sst s3  }
0xc: {  	[smem:$0x3FAF] =	sst s4  }
0xd: {  	[smem:$0x3FB0] =	sst s5  }
0xe: {  	[smem:$0x3FB1] =	sst s6  }
0xf: {  	[smem:$0x3FB2] =	sst s7  }
0x10: {  	[smem:$0x3FB3] =	sst s8  }
0x11: {  	[smem:$0x3FB4] =	sst s9;
	s0 =	simm.s32 @!p0 $0x0  }
0x12: {  	s1 =	sld [smem:$0x3F9A];
	s0 =	simm.s32 @p0 $0x1  }
0x13: {  	[smem:$0x3FB5] =	sst s0;
	s0 =	simm.s32 @!p1 $0x0  }
0x14: {  	s2 =	sld [smem:$0x3F99];
	s0 =	simm.s32 @p1 $0x1  }
0x15: {  	[smem:$0x3FB6] =	sst s0;
	s0 =	simm.s32 @!p2 $0x0  }
0x16: {  	s3 =	sld [smem:$0x3FDB];
	s0 =	simm.s32 @p2 $0x1  }
0x17: {  	s4 =	simm.s32 $0x1BF5;
	[smem:$0x3FB8] =	sst s0  }
0x18: {  	s0 =	sld [smem:$0x3F9B];
	_ =	swait.ge [sflag:s4], $0x0  }
0x19: {  	s7 =	sld [smem:$0x3F9C]  }
0x1a: {  	s8 =	sadd.s32 $0xFFFFE003, lr  }
0x1b: {  	s9 =	sadd.s32 $0xFFFFFEF7, lr;
	s5 =	simm.s32 $0xFFFFFFFF;
	p2 =	slt.u32 s8, $0xFFFFF086  }
0x1c: {  	p1 =	slt.u32 s9, $0xF7A;
	s5 =	simm.s32 @!p2 $0x0  }
0x1d: {  	s5 =	simm.s32 @p1 $0x1;
	p0 =	seq.s32 s7, s2  }
0x1e: {  	s7 =	smul.u32 @!p0 $0xF7A, s2;
	p2 =	seq.s32 @!p0 s5, $0x0  }
0x1f: {  	s9 =	smul.u32 $0xF7A, s1;
	s8 =	simm.s32 @!p0 $0x1BF5;
	p2 =	por !p2, p0  }
0x20: {  	[sflag:s8] =	ssyncset.s32 @!p0 $0xFFFFF086;
	s6 =	sadd.s32 @!p0 s3, s7;
	s7 =	simm.s32 @!p0 $0x108  }
0x21: {  	s3 =	sadd.s32 s3, s9;
	s6 =	sadd.s32 @!p0 $0x88, s6;
	s7 =	simm.s32 @p2 $0x1082  }
0x22: {  	[simem:s7], [sflag:s8] =	dma.local @!p0 [hbm:s6], $0xF7A  }
0x23: {  	s9 =	sor.u32 $0xD0000000, s2;
	s6 =	simm.s32 $0x108;
	_ =	swait.ge @!p0 [sflag:s8], $0x0  }
0x24: {  	s3 =	sadd.s32 $0x88, s3;
	s6 =	simm.s32 @!p1 $0x1082;
	[sflag:s4] =	ssyncset.s32 $0xFFFFF086  }
0x25: {  	[simem:s6], [sflag:s4] =	dma.local [hbm:s3], $0xF7A  }
0x26: {  	[smem:$0x3F9C] =	sst s1;
	(tag) =	ssettag s2;
	_ =	strace s9  }
0x27: {  	s1 =	sld [smem:$0x3FAC]  }
0x28: {  	s2 =	sld [smem:$0x3FAD]  }
0x29: {  	s4 =	sld [smem:$0x3FAF]  }
0x2a: {  	p0 =	seq.s32 s5, $0x0;
	s5 =	sld [smem:$0x3FB0]  }
0x2b: {  	s6 =	sld [smem:$0x3FB1]  }
0x2c: {  	s7 =	sld [smem:$0x3FB2]  }
0x2d: {  	s3 =	simm.s32 $0x108;
	s8 =	sld [smem:$0x3FB3]  }
0x2e: {  	s3 =	simm.s32 @!p0 $0x1082;
	s9 =	sld [smem:$0x3FB4]  }
0x2f: {  	lr =	sadd.s32 s0, s3;
	s0 =	sld [smem:$0x3FAB]  }
0x30: {  	s3 =	sld [smem:$0x3FAE]  }
0x31: {  	[smem:$0x3FB7] =	sst s10  }
0x32: {  	s10 =	sld [smem:$0x3FB5];
	_ =	sdelay $0x3  }
0x33: {  	p0 =	seq.s32 s10, $0x1;
	s10 =	sld [smem:$0x3FB7];
	_ =	sdelay $0x3  }
0x34: {  	[smem:$0x3FB7] =	sst s10  }
0x35: {  	s10 =	sld [smem:$0x3FB6];
	_ =	sdelay $0x3  }
0x36: {  	p1 =	seq.s32 s10, $0x1;
	s10 =	sld [smem:$0x3FB7];
	_ =	sdelay $0x3  }
0x37: {  	[smem:$0x3FB7] =	sst s10  }
0x38: {  	s10 =	sld [smem:$0x3FB8]  }
0x39: {  	_ = 	snop;
	(pc) =	sbr.ind lr, $3  }
0x3a: {  	_ = 	snop  }
0x3b: {  	_ = 	snop  }
0x3c: {  	p2 =	seq.s32 s10, $0x1;
	s10 =	sld [smem:$0x3FB7]  }
0x3d: {  	_ =	shalt  }
0x3e: {  	_ =	shalt  }
0x3f: {  	_ =	shalt  }
0x40: {  	_ =	shalt  }
0x41: {  	_ =	shalt  }
0x42: {  	_ =	shalt  }
0x43: {  	_ =	shalt  }
0x44: {  	_ =	shalt  }
0x45: {  	_ =	shalt  }
0x46: {  	_ =	shalt  }
0x47: {  	_ =	shalt  }
0x48: {  	_ =	shalt  }
0x49: {  	_ =	shalt  }
0x4a: {  	_ =	shalt  }
0x4b: {  	_ =	shalt  }
0x4c: {  	_ =	shalt  }
0x4d: {  	_ =	shalt  }
0x4e: {  	_ =	shalt  }
0x4f: {  	_ =	shalt  }
0x50: {  	_ =	shalt  }
0x51: {  	_ =	shalt  }
0x52: {  	_ =	shalt  }
0x53: {  	_ =	shalt  }
0x54: {  	_ =	shalt  }
0x55: {  	_ =	shalt  }
0x56: {  	_ =	shalt  }
0x57: {  	_ =	shalt  }
0x58: {  	_ =	shalt  }
0x59: {  	_ =	shalt  }
0x5a: {  	_ =	shalt  }
0x5b: {  	_ =	shalt  }
0x5c: {  	_ =	shalt  }
0x5d: {  	_ =	shalt  }
0x5e: {  	_ =	shalt  }
0x5f: {  	_ =	shalt  }
0x60: {  	_ =	shalt  }
0x61: {  	_ =	shalt  }
0x62: {  	_ =	shalt  }
0x63: {  	_ =	shalt  }
0x64: {  	_ =	shalt  }
0x65: {  	_ =	shalt  }
0x66: {  	_ =	shalt  }
0x67: {  	_ =	shalt  }
0x68: {  	_ =	shalt  }
0x69: {  	_ =	shalt  }
0x6a: {  	_ =	shalt  }
0x6b: {  	_ =	shalt  }
0x6c: {  	_ =	shalt  }
0x6d: {  	_ =	shalt  }
0x6e: {  	_ =	shalt  }
0x6f: {  	_ =	shalt  }
0x70: {  	_ =	shalt  }
0x71: {  	_ =	shalt  }
0x72: {  	_ =	shalt  }
0x73: {  	_ =	shalt  }
0x74: {  	_ =	shalt  }
0x75: {  	_ =	shalt  }
0x76: {  	_ =	shalt  }
0x77: {  	_ =	shalt  }
0x78: {  	_ =	shalt  }
0x79: {  	_ =	shalt  }
0x7a: {  	_ =	shalt  }
0x7b: {  	_ =	shalt  }
0x7c: {  	_ =	shalt  }
0x7d: {  	_ =	shalt  }
0x7e: {  	_ =	shalt  }
0x7f: {  	_ =	shalt  }
0x80: {  	_ =	shalt  }
0x81: {  	_ =	shalt  }
0x82: {  	_ =	shalt  }
0x83: {  	_ =	shalt  }
0x84: {  	_ =	shalt  }
0x85: {  	_ =	shalt  }
0x86: {  	_ =	shalt  }
0x87: {  	_ =	shalt  }
.Lfunc_end0:
.L_simem_size_0:
called_computation_lowered:
.L_overlay_start_0:
0x88: {  	s2 =	sld [smem:$0x3FD9]  }
0x89: {  	s3 =	sld [smem:$0x3FFE];
	_ =	sdelay $0x1  }
0x8a: {  	s1 =	srdreg.scid  }
0x8b: {  	s0 =	sand.u32 $0x1, s1  }
0x8c: {  	s14 =	sshll.u32 s0, $0xA;
	s2 =	sadd.s32 s3, s2  }
0x8d: {  	s2 =	sadd.s32 s2, s14  }
0x8e: {  	[smem:$0x3FC3] =	sst s2  }
0x8f: {  	_ = 	snop  }
0x90: {  	s2 =	sld [smem:$0x3FD0];
	_ =	sdelay $0x2  }
0x91: {  	s15 =	simm.s32 $0xA;
	s4 =	simm.s32 $0x10  }
0x92: {  	[smem:s4], [sflag:s15] =	dma.local [hbm:s2], $0x1  }
0x93: {  	_ =	swait.eq [sflag:s15], $0x1  }
0x94: {  	[sflag:s15] =	ssyncset.done $0x0  }
0x95: {  	s16 =	sld [smem:$0x10];
	[sflag:s15] =	ssyncadd.s32 $0xFFFFFFFF  }
0x96: {  	s17 =	sld [smem:$0x11];
	(tm) =	ssettm $0x1  }
0x97: {  	s18 =	sld [smem:$0x3FFB];
	_ =	sdelay $0x3  }
0x98: {  	_ =	strace s18  }
0x99: {  	s4 =	sld [smem:$0x3FFC];
	_ =	sdelay $0x3  }
0x9a: {  	_ =	strace s4  }
0x9b: {  	s4 =	sld [smem:$0x3FFD];
	_ =	sdelay $0x3  }
0x9c: {  	_ =	strace s4  }
0x9d: {  	_ =	strace $0x8FFFFFFF  }
0x9e: {  	s19 =	sld [smem:$0x3FDB];
	_ =	sdelay $0x1  }
0x9f: {  	s5 =	simm.s32 $_scs_section_size  }
0xa0: {  	s6 =	simm.s32 $_size__tile_overlayer_lowered;
	s7 =	simm.s32 $_tile_overlayer_lowered  }
0xa1: {  	s22 =	simm.s32 $0x1BFF;
	s21 =	sshll.u32 s7, $0x1;
	s4 =	sadd.s32 s5, s19  }
0xa2: {  	s8 =	simm.s32 $0x0;
	s20 =	sshll.u32 s6, $0x1;
	s6 =	sadd.s32 s21, s4  }
0xa3: {  	[timem:s8], [sflag:s22] =	dma.local [hbm:s6], s20  }
0xa4: {  	_ =	swait.ge [sflag:s22], s20  }
0xa5: {  	s5 =	ssub.s32 $0x0, s20;
	[sflag:s22] =	ssyncset.done $0x0  }
0xa6: {  	[sflag:s22] =	ssyncadd.s32 s5;
	_ =	sdelay $0x1  }
0xa7: {  	s23 =	simm.s32 $0x1B8B  }
0xa8: {  	_ =	swait.ge [sflag:s23], $0x1  }
0xa9: {  	[sflag:s23] =	ssyncset.done $0x0  }
0xaa: {  	s25 =	simm.s32 $0x1B8E;
	s24 =	sld [smem:$0x3FFE];
	[sflag:s23] =	ssyncadd.s32 $0xFFFFFFFF  }
0xab: {  	s26 =	simm.s32 $execute0_lowered;
	[smem:$0x3FD2] =	sst s25  }
0xac: {  	s6 =	sshll.u32 s26, $0x1;
	_ =	strace $0x80000046;
	[dreg:$0x1] =	wrdreg $0xFFFFFFFF  }
0xad: {  	s28 =	simm.s32 $_size_execute0_lowered;
	s4 =	sadd.s32 s4, s6;
	[dreg:$0x0] =	wrdreg $0x0  }
0xae: {  	s6 =	sshll.u32 s28, $0x1;
	[dreg:$0x2] =	wrdreg s4  }
0xaf: {  	[dreg:$0x3] =	wrdreg s6  }
0xb0: {  	[dreg:$0x4] =	wrdreg $0xC0  }
0xb1: {  	_ =	task [dreg:s8], $0x5FFFF  }
0xb2: {  	[dreg:$0x1] =	wrdreg $0xFFFFFFFF  }
0xb3: {  	[dreg:$0x0] =	wrdreg $0x60  }
0xb4: {  	[dreg:$0x2] =	wrdreg s16  }
0xb5: {  	[dreg:$0x3] =	wrdreg s24  }
0xb6: {  	[dreg:$0x4] =	wrdreg s17  }
0xb7: {  	[dreg:$0x5] =	wrdreg $0x9  }
0xb8: {  	_ =	task.clear_ibuf [dreg:s8], $0x6FFFF;
	_ =	strace $0x90000046  }
0xb9: {  	s29 =	simm.s32 $0x9;
	_ =	strace $0x8000004B  }
0xba: {  	_ =	swait.ge [sflag:s29], $0x1  }
0xbb: {  	[sflag:s29] =	ssyncadd.s32 $0xFFFFFFFF  }
0xbc: {  	_ =	strace $0x9000004B  }
0xbd: {  	_ =	sfence  }
0xbe: {  	s30 =	sld [smem:$0x0];
	_ =	sdelay $0x2  }
0xbf: {  	s31 =	sshll.u32 s1, $0xD;
	s1 =	sshrl.u32 s1, $0x2  }
0xc0: {  	s3 =	sand.u32 $0x4000, s31;
	s1 =	sadd.s32 s1, s30  }
0xc1: {  	s0 =	sor.u32 s3, s0;
	s1 =	sshll.u32 s1, $0x11  }
0xc2: {  	s0 =	sor.u32 s1, s0  }
0xc3: {  	s0 =	sadd.s32 $0x8F2B, s0  }
0xc4: {  	[sflag:s0] =	ssyncadd.remote.s32 $0x1  }
0xc5: {  	_ =	sfence.sel $0xFFFF  }
0xc6: {  	[dreg:$0x0] =	wrdreg $0xFFFFFFFF;
	(pc) =	sbr.abs _section_cstart, $3  }
0xc7: {  	[dreg:$0x1] =	wrdreg $0xFFFFFFFF  }
0xc8: {  	_ =	task.clear_ibuf [dreg:s8], $0x2FFFF;
	_ =	strace $0x9FFFFFFF  }
0xc9: {  	(tm) =	ssettm $0x7FFFFFFF  }
tec
execute0_lowered:
.L_overlay_start_1:
0x0: {  	(tag) =	ssettag $0x1  }
0x1: {  	s3 =	rddreg [dreg:$0x0]  }
0x2: {  	s4 =	rddreg [dreg:$0x1]  }
0x3: {  	s13 =	rddreg [dreg:$0x2]  }
0x4: {  	s0 =	rddreg [dreg:$0x3]  }
0x5: {  	s5 =	srdreg.scid;
	s1 =	stileid.u32;
	s2 =	simm.s32 $0x0  }
0x6: {  	s5 =	sand.u32 $0x1, s5;
	s6 =	sshll.u32 s1, $0x1;
	[smem:$0x7FF] =	sst s2  }
0x7: {  	s12 =	sadd.s32 $0x800, s4;
	s19 =	sshll.u32 s1, $0xA;
	s7 =	sor.u32 s5, s6  }
0x8: {  	_ =	strace $0x80000047;
	s5 =	ssub.s32 $0x2, s5;
	s14 =	sand.u32 $0x3, s7  }
0x9: {  	s15 =	sand.u32 $0x3800, s19;
	s9 =	sshrl.u32 s5, $0x1;
	s10 =	smul.u32 $0x3E8, s14  }
0xa: {  	s24 =	sadd.s32 $0x1, s7;
	s7 =	sadd.s32 $0xFFFFFFFF, s7;
	s22 =	smul.u32 $0x1F40, s14  }
0xb: {  	s20 =	sshll.u32 s14, $0xE;
	s23 =	smul.u32 $0x1790, s14;
	s11 =	sxor.u32 $0x2, s14  }
0xc: {  	s16 =	ssub.s32 s5, s9;
	p0 =	seq.s32 s14, $0x3;
	s17 =	smul.u32 $0x1790, s11  }
0xd: {  	s18 =	sand.u32 $0x3, s7;
	p1 =	seq.s32 s14, $0x2;
	s11 =	smul.u32 $0x1F40, s11  }
0xe: {  	p2 =	slt.u32 s14, $0x2;
	s14 =	sshll.u32 s14, $0x11;
	s19 =	smul.u32 $0x1790, s18  }
0xf: {  	s6 =	sor.u32 s15, s20;
	s29 =	smul.u32 $0x1F40, s18;
	s18 =	simm.f32 $-6.000000000e+01  }
0x10: {  	s20 =	simm.s32 $0x9;
	s14 =	sor.u32 s15, s14;
	s15 =	simm.s32 $0x2740  }
0x11: {  	s8 =	sshrl.u32 s10, $0x3;
	s21 =	sshrl.u32 s6, $0x3;
	s10 =	simm.s32 @p0 $0x7E0  }
0x12: {  	s5 =	sshrl.u32 s22, $0x2;
	s18 =	simm.s32 @!p1 $0x0;
	s20 =	simm.s32 @!p0 $0x3E7  }
0x13: {  	s14 =	sshrl.u32 s14, $0x3;
	s22 =	simm.s32 $0x2;
	s4 =	sadd.s32 s8, s4  }
0x14: {  	s3 =	sadd.s32 s3, s21;
	s8 =	sand.u32 $0x3, s24;
	s6 =	sadd.s32 s23, s10  }
0x15: {  	s5 =	sadd.s32 $0x800, s5;
	s28 =	sshrl.u32 s11, $0x2;
	s17 =	sadd.s32 s10, s17  }
0x16: {  	s30 =	sadd.s32 s10, s19;
	s11 =	sshrl.u32 s29, $0x2;
	s19 =	simm.f32 $8.324999800e+00  }
0x17: {  	s18 =	simm.s32 @p2 $0xBA83126F;
	s21 =	simm.s32 $0x3D8;
	s13 =	sadd.s32 s13, s14  }
0x18: {  	s14 =	smax.u32 s16, $0x1;
	s16 =	simm.s32 $0x3E8;
	v2 =	vmov s20;
	s20 =	simm.s32 $0x4000  }
0x19: {  	s23 =	simm.s32 $0x0;
	s4 =	sadd.s32 $0x600, s4;
	s25 =	smul.u32 $0x1790, s8  }
0x1a: {  	s6 =	sshrl.u32 s6, $0x3;
	s8 =	smul.u32 $0x1F40, s8;
	s17 =	sshrl.u32 s17, $0x3  }
0x1b: {  	s11 =	sadd.s32 $0x800, s11;
	s31 =	sshrl.u32 s30, $0x3;
	s19 =	simm.s32 @!p1 $0x3F800000  }
0x1c: {  	s21 =	simm.s32 @!p0 $0x0;
	v0 =	vmov s18;
	s18 =	simm.s32 $0x1;
	s6 =	sadd.s32 s12, s6  }
0x1d: {  	s19 =	simm.s32 @p2 $0x48F3E580;
	v3 =	vmov s21;
	s21 =	simm.s32 $0x2B28;
	s8 =	sshrl.u32 s8, $0x2  }
0x1e: {  	s9 =	sadd.s32 s10, s25;
	s10 =	sadd.s32 s12, s17;
	s17 =	simm.s32 $0xBC8  }
0x1f: {  	v1 =	vmov s19;
	s19 =	simm.s32 $0x800;
	s7 =	sadd.s32 $0x800, s8;
	s26 =	sshrl.u32 s9, $0x3  }
0x20: {  	v4 =	vimm.s32 $0x1;
	v5 =	vimm.s32 $0x0;
	s9 =	sadd.s32 $0x800, s28;
	s8 =	sadd.s32 s12, s26;
	s12 =	sadd.s32 s12, s31  }
.LBB2_1:
0x21: {  	_ =	strace $0x80000048  }
0x22: {  	[tilespmem:s2], [sflag:$0x1] =	stream.linear.gather [hbm4b:s3+s2], $0x800, $0x200038;
	[tilespmem:$0x6B28] =	vst v63  }
0x23: {  	_ = 	snop  }
0x24: {  	[tilespmem:s15], [sflag:$0x1] =	stream.linear.gather [hbm4b:s4+s2], $0x3E8, $0x200038;
	[tilespmem:$0x6B28] =	vst v63  }
0x25: {  	_ = 	snop  }
0x26: {  	[tilespmem:s5], [sflag:$0x1] =	stream.strided.gather [hbm4b:s6+s16], $0x7D0, s17, s16, $0x200038;
	[tilespmem:$0x6B28] =	vst v63  }
0x27: {  	_ = 	snop  }
0x28: {  	[tilespmem:s7], [sflag:$0x1] =	stream.strided.gather [hbm4b:s8+s16], $0x7D0, s17, s16, $0x200038;
	[tilespmem:$0x6B28] =	vst v63  }
0x29: {  	_ = 	snop  }
0x2a: {  	[tilespmem:s9], [sflag:$0x1] =	stream.strided.gather [hbm4b:s10+s16], $0x7D0, s17, s16, $0x200038;
	[tilespmem:$0x6B28] =	vst v63  }
0x2b: {  	_ = 	snop  }
0x2c: {  	[tilespmem:s11], [sflag:$0x1] =	stream.strided.gather [hbm4b:s12+s16], $0x7D0, s17, s16, $0x200038;
	[tilespmem:$0x6B28] =	vst v63  }
0x2d: {  	_ =	swait.ge [sflag:s18], $0x800  }
0x2e: {  	[sflag:s18] =	ssyncset.done $0x0  }
0x2f: {  	[sflag:s18] =	ssyncadd.s32 $0xFFFFF800  }
0x30: {  	_ =	swait.ge [sflag:s18], $0x3E8  }
0x31: {  	[sflag:s18] =	ssyncset.done $0x0  }
0x32: {  	[sflag:s18] =	ssyncadd.s32 $0xFFFFFC18  }
0x33: {  	_ =	swait.ge [sflag:s18], $0x7D0  }
0x34: {  	[sflag:s18] =	ssyncset.done $0x0  }
0x35: {  	[sflag:s18] =	ssyncadd.s32 $0xFFFFF830  }
0x36: {  	_ =	swait.ge [sflag:s18], $0x7D0  }
0x37: {  	[sflag:s18] =	ssyncset.done $0x0  }
0x38: {  	[sflag:s18] =	ssyncadd.s32 $0xFFFFF830  }
0x39: {  	_ =	swait.ge [sflag:s18], $0x7D0  }
0x3a: {  	[sflag:s18] =	ssyncset.done $0x0  }
0x3b: {  	[sflag:s18] =	ssyncadd.s32 $0xFFFFF830  }
0x3c: {  	_ =	swait.ge [sflag:s18], $0x7D0  }
0x3d: {  	[sflag:s18] =	ssyncset.done $0x0  }
0x3e: {  	[sflag:s18] =	ssyncadd.s32 $0xFFFFF830  }
0x3f: {  	_ =	strace $0x90000048  }
0x40: {  	s24 =	simm.s32 $0x20;
	_ =	strace $0x80000049  }
0x41: {  	v6 =	vld [tilespmem:s24+$0x10]  }
0x42: {  	v9 =	vld [tilespmem:s24+$0xFFFFFFE0]  }
0x43: {  	v7 =	vld [tilespmem:s24+$0xFFFFFFF0]  }
0x44: {  	v10 =	vld [tilespmem:s24+$0x0];
	_ =	sdelay $0x1  }
0x45: {  	v8 =	vsub.f32 v6, v0  }
0x46: {  	v12 =	vsub.f32 v9, v0  }
0x47: {  	v11 =	vsub.f32 v7, v0;
	v8 =	vmul.f32 v8, v1  }
0x48: {  	v13 =	vsub.f32 v10, v0;
	v12 =	vmul.f32 v12, v1  }
0x49: {  	v11 =	vmul.f32 v11, v1;
	v8 =	vmax.f32 v8, $-1.000000000e+00  }
0x4a: {  	v13 =	vmul.f32 v13, v1;
	v12 =	vmax.f32 v12, $-1.000000000e+00;
	v8 =	vmin.f32 v8, $1.000000000e+03  }
0x4b: {  	v11 =	vmax.f32 v11, $-1.000000000e+00;
	v12 =	vmin.f32 v12, $1.000000000e+03;
	v8 =	vadd.f32 $1.000000000e+00, v8  }
0x4c: {  	v13 =	vmax.f32 v13, $-1.000000000e+00;
	v11 =	vmin.f32 v11, $1.000000000e+03;
	v12 =	vadd.f32 $1.000000000e+00, v12  }
0x4d: {  	v13 =	vmin.f32 v13, $1.000000000e+03;
	v11 =	vadd.f32 $1.000000000e+00, v11;
	v8 =	vtrunc.f32 v8  }
0x4e: {  	v13 =	vadd.f32 $1.000000000e+00, v13;
	v12 =	vtrunc.f32 v12;
	v8 =	vcvt.f32.s32 v8  }
0x4f: {  	v12 =	vcvt.f32.s32 v12  }
0x50: {  	v11 =	vtrunc.f32 v11;
	v13 =	vtrunc.f32 v13;
	vm3 =	vgt.s32 v8, $0x0  }
0x51: {  	v11 =	vcvt.f32.s32 v11;
	vm0 =	vgt.s32 v12, $0x0;
	v14 =	vnsel vm3, $0x0, v8  }
0x52: {  	v18 =	vnsel vm0, $0x0, v12;
	v15 =	vmin.u32 v14, $0x3E8;
	v14 =	vmin.u32 v14, $0x3E7  }
0x53: {  	v13 =	vcvt.f32.s32 v13;
	v20 =	vmin.u32 v18, $0x3E8;
	v16 =	vmax.u32 v15, $0x1  }
0x54: {  	vm1 =	vgt.s32 v11, $0x0;
	v22 =	vmax.u32 v20, $0x1;
	v16 =	vsub.s32 v16, v4  }
0x55: {  	vm2 =	vgt.s32 v13, $0x0;
	v21 =	vnsel vm1, $0x0, v11;
	v22 =	vsub.s32 v22, v4  }
0x56: {  	v23 =	vnsel vm2, $0x0, v13;
	v24 =	vmin.u32 v21, $0x3E7  }
0x57: {  	v21 =	vmin.u32 v21, $0x3E8;
	v25 =	vmin.u32 v23, $0x3E8;
	v23 =	vmin.u32 v23, $0x3E7;
	v14 =	vld.idx.msk [tilespmem:v14+s15+$0x0], $0xffff  }
0x58: {  	v18 =	vmin.u32 v18, $0x3E7;
	v26 =	vmax.u32 v21, $0x1  }
0x59: {  	v26 =	vsub.s32 v26, v4;
	v16 =	vld.idx.msk [tilespmem:v16+s15+$0x0], $0xffff  }
0x5a: {  	v17 =	vtrunc.f32 v7;
	v19 =	vtrunc.f32 v9;
	v27 =	vmax.u32 v25, $0x1;
	v22 =	vld.idx.msk [tilespmem:v22+s15+$0x0], $0xffff  }
0x5b: {  	v17 =	vcvt.f32.s32 v17;
	vm4 =	vlt.s32 v8, $0x3E8;
	v8 =	vsub.s32 v27, v4  }
0x5c: {  	v19 =	vcvt.f32.s32 v19;
	vm14 =	vlt.s32 v12, $0x3E8;
	v23 =	vld.idx.msk [tilespmem:v23+s15+$0x0], $0xffff;
	vm5 =	vle.f32 v14, v6  }
0x5d: {  	vm15 =	vlt.s32 v11, $0x3E8;
	vm7 =	vlt.s32 v13, $0x3E8;
	v14 =	vld.idx.msk [tilespmem:v18+s15+$0x0], $0xffff;
	vm4 =	vmand vm5, vm4  }
0x5e: {  	v12 =	vld.idx.msk [tilespmem:v26+s15+$0x0], $0xffff;
	vm13 =	vgt.f32 v16, v6;
	v18 =	vsel vm4, $0x1, v5;
	v6 =	vtrunc.f32 v6  }
0x5f: {  	v16 =	vld.idx.msk [tilespmem:v24+s15+$0x0], $0xffff;
	vm8 =	vgt.f32 v22, v9;
	vm3 =	vmand vm13, vm3;
	v15 =	vadd.s32 v18, v15  }
0x60: {  	v8 =	vld.idx.msk [tilespmem:v8+s15+$0x0], $0xffff;
	v6 =	vcvt.f32.s32 v6;
	v18 =	vtrunc.f32 v10;
	v54 =	vsel vm3, $0xFFFFFFFF, v5  }
0x61: {  	vm13 =	vle.f32 v23, v10;
	vm0 =	vmand vm8, vm0;
	v15 =	vadd.s32 v54, v15  }
0x62: {  	v18 =	vcvt.f32.s32 v18;
	vm11 =	vle.f32 v14, v9;
	v6 =	vpsel p0, v6, v15  }
0x63: {  	vm3 =	vmand vm11, vm14;
	vm14 =	vgt.f32 v12, v7;
	vm6 =	vgt.s32 v6, $0x0  }
0x64: {  	vm12 =	vle.f32 v16, v7;
	vm1 =	vmand vm14, vm1;
	v6 =	vnsel vm6, $0x0, v6  }
0x65: {  	s25 =	simm.s32 $0x60;
	vm4 =	vmand vm12, vm15;
	vm6 =	vmand vm13, vm7;
	vm15 =	vgt.f32 v8, v10  }
0x66: {  	v16 =	vld [tilespmem:s25+$0xFFFFFFF0];
	v10 =	vsel vm0, $0xFFFFFFFF, v5;
	v11 =	vsel vm1, $0xFFFFFFFF, v5;
	v6 =	vmin.u32 v2, v6  }
0x67: {  	vm2 =	vmand vm15, vm2;
	v8 =	vsel vm4, $0x1, v5;
	v9 =	vadd.s32 v3, v6  }
0x68: {  	v6 =	vand.u32 $0x7, v6;
	v12 =	vsel vm2, $0xFFFFFFFF, v5;
	v8 =	vadd.s32 v8, v21  }
0x69: {  	v7 =	vand.u32 $0x7F8, v9;
	v9 =	vsel vm6, $0x1, v5;
	v8 =	vadd.s32 v11, v8  }
0x6a: {  	v6 =	vor.u32 v6, v7;
	v7 =	vsel vm3, $0x1, v5;
	v9 =	vadd.s32 v9, v25  }
0x6b: {  	v8 =	vpsel p0, v17, v8;
	v21 =	vsub.f32 v16, v0;
	v22 =	vtrunc.f32 v16  }
0x6c: {  	v7 =	vadd.s32 v7, v20;
	v9 =	vadd.s32 v12, v9;
	vm10 =	vgt.s32 v8, $0x0  }
0x6d: {  	v59 =	vadd.s32 $0xBB8, v6;
	v62 =	vadd.s32 $0xFA0, v6;
	v40 =	vadd.s32 $0x1388, v6  }
0x6e: {  	v53 =	vadd.s32 $0x1770, v6;
	v7 =	vadd.s32 v10, v7;
	v9 =	vpsel p0, v18, v9  }
0x6f: {  	v17 =	vld [tilespmem:s25+$0x0];
	v10 =	vadd.s32 $0x3E8, v6;
	v8 =	vnsel vm10, $0x0, v8;
	v21 =	vmul.f32 v21, v1  }
0x70: {  	v7 =	vpsel p0, v19, v7;
	vm11 =	vgt.s32 v9, $0x0;
	v8 =	vmin.u32 v2, v8  }
0x71: {  	vm9 =	vgt.s32 v7, $0x0;
	v9 =	vnsel vm11, $0x0, v9;
	v13 =	vadd.s32 v3, v8;
	v11 =	vld.idx.msk [tilespmem:v6+s19+$0x0], $0xffff  }
0x72: {  	v8 =	vand.u32 $0x7, v8;
	v7 =	vnsel vm9, $0x0, v7;
	v14 =	vmin.u32 v2, v9;
	v9 =	vld [tilespmem:s25+$0x10]  }
0x73: {  	v21 =	vmax.f32 v21, $-1.000000000e+00;
	v13 =	vand.u32 $0x7F8, v13;
	v7 =	vmin.u32 v2, v7  }
0x74: {  	v18 =	vld [tilespmem:s25+$0xFFFFFFE0];
	v29 =	vtrunc.f32 v17;
	v21 =	vmin.f32 v21, $1.000000000e+03;
	v12 =	vadd.s32 v3, v7  }
0x75: {  	s24 =	simm.s32 $0x4B28;
	v15 =	vadd.s32 v3, v14;
	v7 =	vand.u32 $0x7, v7;
	v12 =	vand.u32 $0x7F8, v12  }
0x76: {  	v15 =	vand.u32 $0x7F8, v15;
	v7 =	vor.u32 v7, v12;
	v12 =	vand.u32 $0x7, v14;
	[tilespmem:s24+$0xFFFFE030] =	vst v11  }
0x77: {  	v8 =	vor.u32 v8, v13;
	v20 =	vor.u32 v12, v15;
	v15 =	vsub.f32 v9, v0;
	v10 =	vld.idx.msk [tilespmem:v10+s19+$0x0], $0xffff  }
0x78: {  	v34 =	vadd.f32 $1.000000000e+00, v21;
	v56 =	vadd.s32 $0x7D0, v8;
	v12 =	vadd.s32 $0x7D0, v6  }
0x79: {  	v23 =	vadd.s32 $0xBB8, v8;
	v30 =	vsub.f32 v18, v0;
	v28 =	vmul.f32 v15, v1  }
0x7a: {  	v32 =	vtrunc.f32 v18;
	v15 =	vcvt.f32.s32 v22;
	v22 =	vsub.f32 v17, v0  }
0x7b: {  	v42 =	vadd.s32 $0xFA0, v8;
	v30 =	vmul.f32 v30, v1;
	v28 =	vmax.f32 v28, $-1.000000000e+00;
	v31 =	vld.idx.msk [tilespmem:v7+s19+$0x0], $0xffff  }
0x7c: {  	v13 =	vadd.s32 $0x3E8, v7;
	v33 =	vld.idx.msk [tilespmem:v8+s19+$0x0], $0xffff;
	[tilespmem:s24+$0xFFFFE830] =	vst v10;
	v10 =	vmul.f32 v22, v1;
	v22 =	vmin.f32 v28, $1.000000000e+03  }
0x7d: {  	v14 =	vadd.s32 $0x3E8, v8;
	v30 =	vmax.f32 v30, $-1.000000000e+00;
	v12 =	vld.idx.msk [tilespmem:v12+s19+$0x0], $0xffff;
	v22 =	vadd.f32 $1.000000000e+00, v22  }
0x7e: {  	v21 =	vcvt.f32.s32 v32;
	v11 =	vadd.s32 $0x7D0, v7;
	v30 =	vmin.f32 v30, $1.000000000e+03  }
0x7f: {  	v30 =	vadd.f32 $1.000000000e+00, v30;
	v10 =	vmax.f32 v10, $-1.000000000e+00;
	v22 =	vtrunc.f32 v22  }
0x80: {  	v58 =	vadd.s32 $0xBB8, v7;
	v36 =	vld.idx.msk [tilespmem:v20+s19+$0x0], $0xffff;
	v10 =	vmin.f32 v10, $1.000000000e+03;
	[tilespmem:s24+$0xFFFFE000] =	vst v31;
	v35 =	vcvt.f32.s32 v22  }
0x81: {  	v55 =	vadd.s32 $0x3E8, v20;
	v60 =	vtrunc.f32 v30;
	[tilespmem:s24+$0xFFFFE010] =	vst v33;
	v10 =	vadd.f32 $1.000000000e+00, v10;
	v13 =	vld.idx.msk [tilespmem:v13+s19+$0x0], $0xffff  }
0x82: {  	v14 =	vld.idx.msk [tilespmem:v14+s19+$0x0], $0xffff;
	v22 =	vcvt.f32.s32 v29;
	v29 =	vcvt.f32.s32 v60;
	[tilespmem:s24+$0xFFFFF030] =	vst v12;
	vm12 =	vgt.s32 v35, $0x0  }
0x83: {  	v50 =	vadd.s32 $0xFA0, v7;
	v12 =	vtrunc.f32 v34;
	v28 =	vld.idx.msk [tilespmem:v59+s19+$0x0], $0xffff;
	v61 =	vnsel vm12, $0x0, v35  }
0x84: {  	v10 =	vtrunc.f32 v10;
	vm0 =	vgt.s32 v29, $0x0;
	v63 =	vmin.u32 v61, $0x3E8  }
0x85: {  	[tilespmem:s24+$0xFFFFE020] =	vst v36;
	v12 =	vcvt.f32.s32 v12;
	v30 =	vmin.u32 v61, $0x3E7;
	v44 =	vmax.u32 v63, $0x1  }
0x86: {  	v24 =	vld.idx.msk [tilespmem:v55+s19+$0x0], $0xffff;
	v10 =	vcvt.f32.s32 v10;
	[tilespmem:s24+$0xFFFFE800] =	vst v13;
	v13 =	vnsel vm0, $0x0, v29;
	v33 =	vsub.s32 v44, v4  }
0x87: {  	[tilespmem:s24+$0xFFFFE810] =	vst v14;
	vm1 =	vgt.s32 v12, $0x0;
	v11 =	vld.idx.msk [tilespmem:v11+s19+$0x0], $0xffff;
	v45 =	vmin.u32 v13, $0x3E8;
	v13 =	vmin.u32 v13, $0x3E7  }
0x88: {  	v51 =	vadd.s32 $0x1388, v7;
	v25 =	vld.idx.msk [tilespmem:v56+s19+$0x0], $0xffff;
	vm2 =	vgt.s32 v10, $0x0;
	v46 =	vnsel vm1, $0x0, v12;
	[tilespmem:s24+$0xFFFFF830] =	vst v28  }
0x89: {  	vm3 =	vlt.s32 v29, $0x3E8;
	v37 =	vnsel vm2, $0x0, v10;
	v29 =	vmin.u32 v46, $0x3E7;
	v31 =	vld.idx.msk [tilespmem:v62+s19+$0x0], $0xffff  }
0x8a: {  	v47 =	vmax.u32 v45, $0x1;
	v39 =	vmin.u32 v37, $0x3E8;
	v37 =	vmin.u32 v37, $0x3E7;
	v30 =	vld.idx.msk [tilespmem:v30+s15+$0x0], $0xffff  }
0x8b: {  	v57 =	vadd.s32 $0x7D0, v20;
	v48 =	vmin.u32 v46, $0x3E8;
	v34 =	vsub.s32 v47, v4;
	v33 =	vld.idx.msk [tilespmem:v33+s15+$0x0], $0xffff  }
0x8c: {  	v19 =	vadd.s32 $0xBB8, v20;
	v43 =	vadd.s32 $0xFA0, v20;
	v38 =	vmax.u32 v48, $0x1;
	[tilespmem:s24+$0xFFFFF000] =	vst v11;
	v54 =	vld.idx.msk [tilespmem:v13+s15+$0x0], $0xffff  }
0x8d: {  	vm13 =	vlt.s32 v35, $0x3E8;
	v14 =	vadd.s32 $0x1388, v8;
	v38 =	vsub.s32 v38, v4;
	v27 =	vld.idx.msk [tilespmem:v58+s19+$0x0], $0xffff  }
0x8e: {  	vm6 =	vlt.s32 v12, $0x3E8;
	vm5 =	vlt.s32 v10, $0x3E8;
	v41 =	vmax.u32 v39, $0x1;
	v29 =	vld.idx.msk [tilespmem:v29+s15+$0x0], $0xffff  }
0x8f: {  	v12 =	vadd.s32 $0x1770, v8;
	v49 =	vsub.s32 v41, v4;
	v55 =	vld.idx.msk [tilespmem:v37+s15+$0x0], $0xffff;
	vm14 =	vle.f32 v30, v9  }
0x90: {  	[tilespmem:s24+$0xFFFFE820] =	vst v24;
	v13 =	vadd.s32 $0x1388, v20;
	v58 =	vadd.s32 $0x1B58, v6;
	v34 =	vld.idx.msk [tilespmem:v34+s15+$0x0], $0xffff;
	vm7 =	vmand vm14, vm13  }
0x91: {  	v26 =	vld.idx.msk [tilespmem:v57+s19+$0x0], $0xffff;
	vm15 =	vgt.f32 v33, v9;
	v10 =	vsel vm7, $0x1, v5;
	v9 =	vtrunc.f32 v9  }
0x92: {  	[tilespmem:s24+$0x30] =	vst v31;
	v38 =	vld.idx.msk [tilespmem:v38+s15+$0x0], $0xffff;
	vm11 =	vle.f32 v54, v18;
	vm4 =	vmand vm15, vm12;
	v10 =	vadd.s32 v10, v63  }
0x93: {  	v52 =	vld.idx.msk [tilespmem:v40+s19+$0x0], $0xffff;
	v9 =	vcvt.f32.s32 v9;
	vm3 =	vmand vm11, vm3;
	v11 =	vsel vm4, $0xFFFFFFFF, v5  }
0x94: {  	vm13 =	vle.f32 v29, v16;
	vm14 =	vle.f32 v55, v17;
	v10 =	vadd.s32 v11, v10  }
0x95: {  	[tilespmem:s24+$0xFFFFF010] =	vst v25;
	vm15 =	vgt.f32 v34, v18;
	vm4 =	vmand vm13, vm6;
	v56 =	vpsel p0, v9, v10  }
0x96: {  	v23 =	vld.idx.msk [tilespmem:v23+s19+$0x0], $0xffff;
	vm5 =	vmand vm14, vm5;
	v11 =	vadd.s32 $0x1770, v7;
	vm12 =	vgt.s32 v56, $0x0  }
0x97: {  	[tilespmem:s24+$0xFFFFF020] =	vst v26;
	v24 =	vld.idx.msk [tilespmem:v49+s15+$0x0], $0xffff;
	vm11 =	vgt.f32 v38, v16;
	vm0 =	vmand vm15, vm0;
	v57 =	vnsel vm12, $0x0, v56  }
0x98: {  	v18 =	vld.idx.msk [tilespmem:v19+s19+$0x0], $0xffff;
	v10 =	vadd.s32 $0x1770, v20;
	v9 =	vadd.s32 $0x1B58, v7;
	[tilespmem:s24+$0x830] =	vst v52;
	v25 =	vmin.u32 v2, v57  }
0x99: {  	v7 =	vadd.s32 $0x1B58, v8;
	v8 =	vadd.s32 $0x1B58, v20;
	v20 =	vld.idx.msk [tilespmem:v53+s19+$0x0], $0xffff;
	v6 =	vadd.s32 v3, v25  }
0x9a: {  	[tilespmem:s24+$0xFFFFF800] =	vst v27;
	v19 =	vsel vm4, $0x1, v5;
	v16 =	vand.u32 $0x7, v25;
	v6 =	vand.u32 $0x7F8, v6  }
0x9b: {  	vm1 =	vmand vm11, vm1;
	v59 =	vsel vm0, $0xFFFFFFFF, v5;
	v6 =	vor.u32 v16, v6;
	v16 =	vld.idx.msk [tilespmem:v50+s19+$0x0], $0xffff  }
0x9c: {  	[tilespmem:s24+$0xFFFFF810] =	vst v23;
	v60 =	vsel vm1, $0xFFFFFFFF, v5;
	vm12 =	vgt.f32 v24, v17;
	v17 =	vsel vm3, $0x1, v5  }
0x9d: {  	v62 =	vld.idx.msk [tilespmem:v42+s19+$0x0], $0xffff;
	vm2 =	vmand vm12, vm2;
	[tilespmem:s24+$0xFFFFF820] =	vst v18;
	v17 =	vadd.s32 v17, v45;
	v18 =	vadd.s32 v19, v48  }
0x9e: {  	v61 =	vsel vm2, $0xFFFFFFFF, v5;
	v63 =	vld.idx.msk [tilespmem:v43+s19+$0x0], $0xffff;
	v18 =	vadd.s32 v60, v18;
	[tilespmem:s24+$0x1030] =	vst v20;
	v20 =	vsel vm5, $0x1, v5  }
0x9f: {  	v17 =	vadd.s32 v59, v17;
	v15 =	vpsel p0, v15, v18;
	v23 =	vld.idx.msk [tilespmem:v58+s19+$0x0], $0xffff;
	v19 =	vadd.s32 v20, v39  }
0xa0: {  	vm14 =	vgt.s32 v15, $0x0;
	v20 =	vpsel p0, v21, v17;
	v19 =	vadd.s32 v61, v19;
	[tilespmem:s24+$0x0] =	vst v16;
	v16 =	vld.idx.msk [tilespmem:v6+s19+$0x0], $0xffff  }
0xa1: {  	v17 =	vadd.s32 $0x3E8, v6;
	vm13 =	vgt.s32 v20, $0x0;
	v21 =	vpsel p0, v22, v19  }
0xa2: {  	[tilespmem:s24+$0x10] =	vst v62;
	v18 =	vnsel vm13, $0x0, v20;
	v20 =	vnsel vm14, $0x0, v15;
	vm15 =	vgt.s32 v21, $0x0;
	v15 =	vld.idx.msk [tilespmem:v51+s19+$0x0], $0xffff  }
0xa3: {  	[tilespmem:s24+$0x20] =	vst v63;
	v19 =	vmin.u32 v2, v18;
	v18 =	vmin.u32 v2, v20;
	v21 =	vnsel vm15, $0x0, v21  }
0xa4: {  	s26 =	simm.s32 $0x4;
	s28 =	simm.s32 $0xA0;
	s25 =	simm.s32 $0x4B68;
	v20 =	vadd.s32 v3, v19;
	[tilespmem:s24+$0x1830] =	vst v23;
	v23 =	vadd.s32 v3, v18;
	v21 =	vmin.u32 v2, v21  }
.LBB2_2:
0xa5: {  	v22 =	vld [tilespmem:s28+$0x10];
	s26 =	sadd.s32 $0x4, s26;
	v20 =	vand.u32 $0x7F8, v20;
	v23 =	vand.u32 $0x7F8, v23;
	v24 =	vadd.s32 v3, v21;
	[tilespmem:s25+$0xFFFFE030] =	vst v16  }
0xa6: {  	v19 =	vand.u32 $0x7, v19;
	v18 =	vand.u32 $0x7, v18;
	p1 =	slt.u32 s26, $0x7C;
	v24 =	vand.u32 $0x7F8, v24;
	v25 =	vld.idx.msk [tilespmem:v17+s19+$0x0], $0xffff  }
0xa7: {  	v19 =	vor.u32 v19, v20;
	v20 =	vor.u32 v18, v23;
	v18 =	vand.u32 $0x7, v21;
	v16 =	vld [tilespmem:s28+$0xFFFFFFF0];
	[tilespmem:s24+$0x800] =	vst v15  }
0xa8: {  	v27 =	vadd.s32 $0x7D0, v6;
	v26 =	vadd.s32 $0x3E8, v19;
	v21 =	vor.u32 v18, v24;
	v17 =	vld [tilespmem:s28+$0x0]  }
0xa9: {  	v28 =	vadd.s32 $0x7D0, v19;
	v29 =	vadd.s32 $0x3E8, v20;
	v30 =	vadd.s32 $0x3E8, v21;
	v18 =	vld [tilespmem:s28+$0xFFFFFFE0]  }
0xaa: {  	v31 =	vadd.s32 $0x7D0, v20;
	v32 =	vadd.s32 $0x7D0, v21;
	v15 =	vsub.f32 v22, v0;
	v14 =	vld.idx.msk [tilespmem:v14+s19+$0x0], $0xffff  }
0xab: {  	v33 =	vadd.s32 $0xBB8, v19;
	v24 =	vadd.s32 $0xBB8, v20;
	v23 =	vadd.s32 $0xBB8, v21;
	v13 =	vld.idx.msk [tilespmem:v13+s19+$0x0], $0xffff  }
0xac: {  	v34 =	vsub.f32 v16, v0;
	v35 =	vtrunc.f32 v16;
	v36 =	vmul.f32 v15, v1;
	v37 =	vld.idx.msk [tilespmem:v19+s19+$0x0], $0xffff;
	[tilespmem:s25+$0xFFFFE830] =	vst v25  }
0xad: {  	v15 =	vcvt.f32.s32 v35;
	v25 =	vsub.f32 v17, v0;
	v35 =	vtrunc.f32 v17;
	v27 =	vld.idx.msk [tilespmem:v27+s19+$0x0], $0xffff  }
0xae: {  	v38 =	vsub.f32 v18, v0;
	v34 =	vmul.f32 v34, v1;
	v36 =	vmax.f32 v36, $-1.000000000e+00;
	v39 =	vld.idx.msk [tilespmem:v20+s19+$0x0], $0xffff  }
0xaf: {  	v41 =	vadd.s32 $0xBB8, v6;
	v25 =	vmul.f32 v25, v1;
	v36 =	vmin.f32 v36, $1.000000000e+03;
	v40 =	vld.idx.msk [tilespmem:v21+s19+$0x0], $0xffff  }
0xb0: {  	v38 =	vmul.f32 v38, v1;
	v34 =	vmax.f32 v34, $-1.000000000e+00;
	v36 =	vadd.f32 $1.000000000e+00, v36;
	v11 =	vld.idx.msk [tilespmem:v11+s19+$0x0], $0xffff;
	[tilespmem:s24+$0x810] =	vst v14  }
0xb1: {  	v14 =	vtrunc.f32 v18;
	v34 =	vmin.f32 v34, $1.000000000e+03;
	v25 =	vmax.f32 v25, $-1.000000000e+00;
	v12 =	vld.idx.msk [tilespmem:v12+s19+$0x0], $0xffff;
	[tilespmem:s24+$0x820] =	vst v13  }
0xb2: {  	v13 =	vmax.f32 v38, $-1.000000000e+00;
	v38 =	vmin.f32 v25, $1.000000000e+03;
	v25 =	vtrunc.f32 v36;
	[tilespmem:s25+$0xFFFFE000] =	vst v37;
	v10 =	vld.idx.msk [tilespmem:v10+s19+$0x0], $0xffff  }
0xb3: {  	v34 =	vadd.f32 $1.000000000e+00, v34;
	v13 =	vmin.f32 v13, $1.000000000e+03;
	v36 =	vcvt.f32.s32 v25;
	v37 =	vld.idx.msk [tilespmem:v26+s19+$0x0], $0xffff;
	[tilespmem:s25+$0xFFFFF030] =	vst v27  }
0xb4: {  	v25 =	vcvt.f32.s32 v14;
	v14 =	vadd.f32 $1.000000000e+00, v38;
	v13 =	vadd.f32 $1.000000000e+00, v13;
	[tilespmem:s25+$0xFFFFE010] =	vst v39;
	v27 =	vld.idx.msk [tilespmem:v41+s19+$0x0], $0xffff  }
0xb5: {  	v26 =	vcvt.f32.s32 v35;
	v34 =	vtrunc.f32 v34;
	vm3 =	vgt.s32 v36, $0x0;
	v29 =	vld.idx.msk [tilespmem:v29+s19+$0x0], $0xffff;
	[tilespmem:s25+$0xFFFFE020] =	vst v40  }
0xb6: {  	v38 =	vadd.s32 $0xFA0, v6;
	v13 =	vtrunc.f32 v13;
	v35 =	vnsel vm3, $0x0, v36;
	v30 =	vld.idx.msk [tilespmem:v30+s19+$0x0], $0xffff;
	[tilespmem:s24+$0x1000] =	vst v11  }
0xb7: {  	v11 =	vcvt.f32.s32 v13;
	v13 =	vtrunc.f32 v14;
	v39 =	vmin.u32 v35, $0x3E8;
	v9 =	vld.idx.msk [tilespmem:v9+s19+$0x0], $0xffff;
	[tilespmem:s24+$0x1010] =	vst v12  }
0xb8: {  	v12 =	vcvt.f32.s32 v34;
	v14 =	vmin.u32 v35, $0x3E7;
	v34 =	vmax.u32 v39, $0x1;
	v7 =	vld.idx.msk [tilespmem:v7+s19+$0x0], $0xffff;
	[tilespmem:s24+$0x1020] =	vst v10  }
0xb9: {  	v10 =	vcvt.f32.s32 v13;
	vm0 =	vgt.s32 v11, $0x0;
	v13 =	vsub.s32 v34, v4;
	[tilespmem:s25+$0xFFFFE800] =	vst v37;
	v8 =	vld.idx.msk [tilespmem:v8+s19+$0x0], $0xffff  }
0xba: {  	vm4 =	vlt.s32 v11, $0x3E8;
	vm1 =	vgt.s32 v12, $0x0;
	v34 =	vnsel vm0, $0x0, v11;
	v11 =	vld.idx.msk [tilespmem:v28+s19+$0x0], $0xffff;
	[tilespmem:s25+$0xFFFFF830] =	vst v27  }
0xbb: {  	v28 =	vnsel vm1, $0x0, v12;
	vm2 =	vgt.s32 v10, $0x0;
	v27 =	vmin.u32 v34, $0x3E8;
	[tilespmem:s25+$0xFFFFE810] =	vst v29;
	v29 =	vld.idx.msk [tilespmem:v38+s19+$0x0], $0xffff  }
0xbc: {  	v37 =	vmin.u32 v28, $0x3E8;
	v38 =	vnsel vm2, $0x0, v10;
	v35 =	vmax.u32 v27, $0x1;
	v31 =	vld.idx.msk [tilespmem:v31+s19+$0x0], $0xffff;
	[tilespmem:s25+$0xFFFFE820] =	vst v30  }
0xbd: {  	v42 =	vadd.s32 $0x1388, v6;
	v30 =	vmax.u32 v37, $0x1;
	v40 =	vmin.u32 v38, $0x3E8;
	v41 =	vld.idx.msk [tilespmem:v14+s15+$0x0], $0xffff;
	[tilespmem:s24+$0x1800] =	vst v9  }
0xbe: {  	v28 =	vmin.u32 v28, $0x3E7;
	v9 =	vmin.u32 v34, $0x3E7;
	v14 =	vmax.u32 v40, $0x1;
	v34 =	vld.idx.msk [tilespmem:v13+s15+$0x0], $0xffff;
	[tilespmem:s24+$0x1810] =	vst v7  }
0xbf: {  	v30 =	vsub.s32 v30, v4;
	v7 =	vsub.s32 v35, v4;
	v35 =	vmin.u32 v38, $0x3E7;
	v32 =	vld.idx.msk [tilespmem:v32+s19+$0x0], $0xffff;
	[tilespmem:s24+$0x1820] =	vst v8;
	s24 =	smov.u32 s25  }
0xc0: {  	vm6 =	vlt.s32 v12, $0x3E8;
	vm5 =	vlt.s32 v10, $0x3E8;
	v8 =	vsub.s32 v14, v4;
	[tilespmem:s25+$0xFFFFF000] =	vst v11  }
0xc1: {  	v43 =	vadd.s32 $0xFA0, v21;
	v38 =	vadd.s32 $0xFA0, v20;
	v10 =	vld.idx.msk [tilespmem:v33+s19+$0x0], $0xffff;
	v33 =	vadd.s32 $0xFA0, v19;
	[tilespmem:s25+$0x30] =	vst v29  }
0xc2: {  	v13 =	vadd.s32 $0x1388, v21;
	v14 =	vadd.s32 $0x1388, v20;
	v29 =	vadd.s32 $0x1388, v19;
	[tilespmem:s25+$0xFFFFF010] =	vst v31;
	v31 =	vld.idx.msk [tilespmem:v42+s19+$0x0], $0xffff  }
0xc3: {  	vm7 =	vlt.s32 v36, $0x3E8;
	v11 =	vadd.s32 $0x1770, v19;
	vm8 =	vle.f32 v41, v22;
	v42 =	vld.idx.msk [tilespmem:v9+s15+$0x0], $0xffff  }
0xc4: {  	vm7 =	vmand vm8, vm7;
	vm8 =	vgt.f32 v34, v22;
	v34 =	vadd.s32 $0x1770, v6;
	v28 =	vld.idx.msk [tilespmem:v28+s15+$0x0], $0xffff  }
0xc5: {  	v12 =	vtrunc.f32 v22;
	v9 =	vsel vm7, $0x1, v5;
	vm3 =	vmand vm8, vm3;
	v35 =	vld.idx.msk [tilespmem:v35+s15+$0x0], $0xffff;
	[tilespmem:s25+$0xFFFFF020] =	vst v32  }
0xc6: {  	v9 =	vadd.s32 v9, v39;
	v32 =	vcvt.f32.s32 v12;
	v22 =	vld.idx.msk [tilespmem:v7+s15+$0x0], $0xffff;
	v7 =	vsel vm3, $0xFFFFFFFF, v5  }
0xc7: {  	v12 =	vadd.s32 $0x1770, v20;
	v30 =	vld.idx.msk [tilespmem:v30+s15+$0x0], $0xffff;
	v7 =	vadd.s32 v7, v9;
	[tilespmem:s25+$0xFFFFF800] =	vst v10;
	v10 =	vadd.s32 $0x1770, v21  }
0xc8: {  	v9 =	vadd.s32 $0x1B58, v19;
	v36 =	vld.idx.msk [tilespmem:v8+s15+$0x0], $0xffff;
	v32 =	vpsel p0, v32, v7;
	v7 =	vadd.s32 $0x1B58, v20;
	[tilespmem:s25+$0x830] =	vst v31  }
0xc9: {  	vm3 =	vle.f32 v42, v18;
	v8 =	vadd.s32 $0x1B58, v21;
	vm7 =	vgt.s32 v32, $0x0;
	v19 =	vld.idx.msk [tilespmem:v34+s19+$0x0], $0xffff  }
0xca: {  	vm3 =	vmand vm3, vm4;
	vm4 =	vle.f32 v28, v16;
	v20 =	vnsel vm7, $0x0, v32;
	v21 =	vld.idx.msk [tilespmem:v24+s19+$0x0], $0xffff  }
0xcb: {  	vm7 =	vle.f32 v35, v17;
	v24 =	vadd.s32 $0x1B58, v6;
	v20 =	vmin.u32 v2, v20;
	v23 =	vld.idx.msk [tilespmem:v23+s19+$0x0], $0xffff  }
0xcc: {  	vm4 =	vmand vm4, vm6;
	vm8 =	vgt.f32 v22, v18;
	v6 =	vadd.s32 v3, v20;
	v18 =	vld.idx.msk [tilespmem:v33+s19+$0x0], $0xffff  }
0xcd: {  	vm6 =	vgt.f32 v30, v16;
	v16 =	vand.u32 $0x7, v20;
	v6 =	vand.u32 $0x7F8, v6  }
0xce: {  	vm5 =	vmand vm7, vm5;
	vm7 =	vgt.f32 v36, v17;
	v6 =	vor.u32 v16, v6  }
0xcf: {  	vm0 =	vmand vm8, vm0;
	vm1 =	vmand vm6, vm1;
	vm2 =	vmand vm7, vm2;
	[tilespmem:s25+$0x1030] =	vst v19  }
0xd0: {  	v17 =	vsel vm4, $0x1, v5;
	v16 =	vsel vm3, $0x1, v5;
	v19 =	vsel vm5, $0x1, v5;
	[tilespmem:s25+$0xFFFFF810] =	vst v21;
	v20 =	vld.idx.msk [tilespmem:v24+s19+$0x0], $0xffff  }
0xd1: {  	v22 =	vsel vm1, $0xFFFFFFFF, v5;
	v21 =	vsel vm0, $0xFFFFFFFF, v5;
	v24 =	vsel vm2, $0xFFFFFFFF, v5;
	v28 =	vld.idx.msk [tilespmem:v38+s19+$0x0], $0xffff;
	[tilespmem:s25+$0xFFFFF820] =	vst v23  }
0xd2: {  	v17 =	vadd.s32 v17, v37;
	v16 =	vadd.s32 v16, v27;
	v19 =	vadd.s32 v19, v40;
	v27 =	vld.idx.msk [tilespmem:v43+s19+$0x0], $0xffff  }
0xd3: {  	v17 =	vadd.s32 v22, v17;
	v21 =	vadd.s32 v21, v16;
	v19 =	vadd.s32 v24, v19;
	v16 =	vld.idx.msk [tilespmem:v6+s19+$0x0], $0xffff  }
.Ltmp0:
0xd4: {  	v22 =	vpsel p0, v15, v17;
	v21 =	vpsel p0, v25, v21;
	v23 =	vpsel p0, v26, v19;
	[tilespmem:s25+$0x0] =	vst v18;
	(pc) =	sbr.rel @p1 .LBB2_2-.Ltmp0, $4  }
0xd5: {  	v17 =	vadd.s32 $0x3E8, v6;
	vm1 =	vgt.s32 v22, $0x0;
	vm0 =	vgt.s32 v21, $0x0;
	v15 =	vld.idx.msk [tilespmem:v29+s19+$0x0], $0xffff  }
0xd6: {  	v18 =	vnsel vm0, $0x0, v21;
	v21 =	vnsel vm1, $0x0, v22;
	vm0 =	vgt.s32 v23, $0x0;
	[tilespmem:s25+$0x1830] =	vst v20  }
0xd7: {  	v19 =	vmin.u32 v2, v18;
	v18 =	vmin.u32 v2, v21;
	v21 =	vnsel vm0, $0x0, v23;
	[tilespmem:s25+$0x10] =	vst v28  }
0xd8: {  	s28 =	sadd.s32 $0x40, s28;
	v20 =	vadd.s32 v3, v19;
	v23 =	vadd.s32 v3, v18;
	v21 =	vmin.u32 v2, v21;
	s25 =	sadd.s32 $0x40, s25;
	[tilespmem:s24+$0x20] =	vst v27  }
0xd9: {  	v20 =	vand.u32 $0x7F8, v20;
	v22 =	vand.u32 $0x7F8, v23;
	v19 =	vand.u32 $0x7, v19  }
0xda: {  	v32 =	vadd.s32 v3, v21;
	v18 =	vand.u32 $0x7, v18;
	v19 =	vor.u32 v19, v20  }
0xdb: {  	v34 =	vand.u32 $0x7, v21;
	v33 =	vand.u32 $0x7F8, v32;
	v18 =	vor.u32 v18, v22  }
0xdc: {  	v20 =	vor.u32 v34, v33;
	_ =	sdelay $0x2  }
0xdd: {  	v35 =	vld.idx.msk [tilespmem:v19+s19+$0x0], $0xffff  }
0xde: {  	v36 =	vadd.s32 $0x3E8, v19;
	v37 =	vld.idx.msk [tilespmem:v18+s19+$0x0], $0xffff  }
0xdf: {  	v24 =	vadd.s32 $0x3E8, v18;
	v25 =	vld.idx.msk [tilespmem:v20+s19+$0x0], $0xffff  }
0xe0: {  	v26 =	vadd.s32 $0x3E8, v20  }
0xe1: {  	[tilespmem:s25+$0xFFFFE030] =	vst v16  }
0xe2: {  	v16 =	vld.idx.msk [tilespmem:v17+s19+$0x0], $0xffff;
	[tilespmem:s25+$0xFFFFE000] =	vst v35  }
0xe3: {  	v38 =	vadd.s32 $0x7D0, v6;
	[tilespmem:s25+$0xFFFFE010] =	vst v37;
	v21 =	vld.idx.msk [tilespmem:v36+s19+$0x0], $0xffff  }
0xe4: {  	v39 =	vadd.s32 $0x7D0, v19;
	v23 =	vld.idx.msk [tilespmem:v24+s19+$0x0], $0xffff;
	[tilespmem:s25+$0xFFFFE020] =	vst v25  }
0xe5: {  	v40 =	vadd.s32 $0x7D0, v18;
	v25 =	vld.idx.msk [tilespmem:v26+s19+$0x0], $0xffff  }
0xe6: {  	v41 =	vadd.s32 $0x7D0, v20  }
0xe7: {  	[tilespmem:s25+$0xFFFFE830] =	vst v16  }
0xe8: {  	v16 =	vld.idx.msk [tilespmem:v38+s19+$0x0], $0xffff;
	[tilespmem:s25+$0xFFFFE800] =	vst v21  }
0xe9: {  	v42 =	vadd.s32 $0xBB8, v6;
	[tilespmem:s25+$0xFFFFE810] =	vst v23;
	v21 =	vld.idx.msk [tilespmem:v39+s19+$0x0], $0xffff  }
0xea: {  	v43 =	vadd.s32 $0xBB8, v19;
	v23 =	vld.idx.msk [tilespmem:v40+s19+$0x0], $0xffff;
	[tilespmem:s25+$0xFFFFE820] =	vst v25  }
0xeb: {  	v44 =	vadd.s32 $0xBB8, v18;
	v25 =	vld.idx.msk [tilespmem:v41+s19+$0x0], $0xffff  }
0xec: {  	v45 =	vadd.s32 $0xBB8, v20  }
0xed: {  	[tilespmem:s25+$0xFFFFF030] =	vst v16  }
0xee: {  	v16 =	vld.idx.msk [tilespmem:v42+s19+$0x0], $0xffff;
	[tilespmem:s25+$0xFFFFF000] =	vst v21  }
0xef: {  	v46 =	vadd.s32 $0xFA0, v6;
	[tilespmem:s25+$0xFFFFF010] =	vst v23;
	v21 =	vld.idx.msk [tilespmem:v43+s19+$0x0], $0xffff  }
0xf0: {  	v47 =	vadd.s32 $0xFA0, v19;
	[tilespmem:s25+$0xFFFFF020] =	vst v25;
	v23 =	vld.idx.msk [tilespmem:v44+s19+$0x0], $0xffff  }
0xf1: {  	v48 =	vadd.s32 $0xFA0, v18;
	v25 =	vld.idx.msk [tilespmem:v45+s19+$0x0], $0xffff  }
0xf2: {  	v14 =	vld.idx.msk [tilespmem:v14+s19+$0x0], $0xffff;
	[tilespmem:s24+$0x800] =	vst v15;
	v49 =	vadd.s32 $0xFA0, v20  }
0xf3: {  	v13 =	vld.idx.msk [tilespmem:v13+s19+$0x0], $0xffff;
	[tilespmem:s25+$0xFFFFF830] =	vst v16  }
0xf4: {  	v16 =	vld.idx.msk [tilespmem:v46+s19+$0x0], $0xffff;
	[tilespmem:s25+$0xFFFFF800] =	vst v21  }
0xf5: {  	v50 =	vadd.s32 $0x1388, v6;
	[tilespmem:s25+$0xFFFFF810] =	vst v23;
	v21 =	vld.idx.msk [tilespmem:v47+s19+$0x0], $0xffff  }
0xf6: {  	v51 =	vadd.s32 $0x1388, v19;
	v23 =	vld.idx.msk [tilespmem:v48+s19+$0x0], $0xffff;
	[tilespmem:s25+$0xFFFFF820] =	vst v25  }
0xf7: {  	v52 =	vadd.s32 $0x1388, v18;
	[tilespmem:s24+$0x810] =	vst v14;
	v15 =	vld.idx.msk [tilespmem:v49+s19+$0x0], $0xffff  }
0xf8: {  	v11 =	vld.idx.msk [tilespmem:v11+s19+$0x0], $0xffff;
	v53 =	vadd.s32 $0x1388, v20;
	[tilespmem:s24+$0x820] =	vst v13  }
0xf9: {  	v12 =	vld.idx.msk [tilespmem:v12+s19+$0x0], $0xffff;
	[tilespmem:s25+$0x30] =	vst v16  }
0xfa: {  	v16 =	vld.idx.msk [tilespmem:v50+s19+$0x0], $0xffff;
	[tilespmem:s25+$0x0] =	vst v21  }
0xfb: {  	v54 =	vadd.s32 $0x1770, v6;
	[tilespmem:s25+$0x10] =	vst v23;
	v21 =	vld.idx.msk [tilespmem:v51+s19+$0x0], $0xffff  }
0xfc: {  	v55 =	vadd.s32 $0x1770, v19;
	[tilespmem:s25+$0x20] =	vst v15;
	v14 =	vld.idx.msk [tilespmem:v52+s19+$0x0], $0xffff  }
0xfd: {  	v56 =	vadd.s32 $0x1770, v18;
	[tilespmem:s24+$0x1000] =	vst v11;
	v13 =	vld.idx.msk [tilespmem:v53+s19+$0x0], $0xffff  }
0xfe: {  	v57 =	vadd.s32 $0x1770, v20;
	v10 =	vld.idx.msk [tilespmem:v10+s19+$0x0], $0xffff;
	[tilespmem:s24+$0x1010] =	vst v12  }
0xff: {  	v9 =	vld.idx.msk [tilespmem:v9+s19+$0x0], $0xffff;
	[tilespmem:s25+$0x830] =	vst v16  }
0x100: {  	v58 =	vld.idx.msk [tilespmem:v54+s19+$0x0], $0xffff;
	[tilespmem:s25+$0x800] =	vst v21  }
0x101: {  	v6 =	vadd.s32 $0x1B58, v6;
	[tilespmem:s25+$0x810] =	vst v14;
	v59 =	vld.idx.msk [tilespmem:v55+s19+$0x0], $0xffff  }
0x102: {  	v60 =	vadd.s32 $0x1B58, v19;
	v11 =	vld.idx.msk [tilespmem:v56+s19+$0x0], $0xffff;
	[tilespmem:s25+$0x820] =	vst v13  }
0x103: {  	v61 =	vadd.s32 $0x1B58, v18;
	[tilespmem:s24+$0x1020] =	vst v10;
	v12 =	vld.idx.msk [tilespmem:v57+s19+$0x0], $0xffff  }
0x104: {  	v62 =	vadd.s32 $0x1B58, v20;
	v7 =	vld.idx.msk [tilespmem:v7+s19+$0x0], $0xffff;
	[tilespmem:s24+$0x1800] =	vst v9  }
0x105: {  	v8 =	vld.idx.msk [tilespmem:v8+s19+$0x0], $0xffff;
	[tilespmem:s25+$0x1030] =	vst v58  }
0x106: {  	v6 =	vld.idx.msk [tilespmem:v6+s19+$0x0], $0xffff;
	[tilespmem:s25+$0x1000] =	vst v59  }
0x107: {  	[tilespmem:s25+$0x1010] =	vst v11;
	v63 =	vld.idx.msk [tilespmem:v60+s19+$0x0], $0xffff  }
0x108: {  	v10 =	vld.idx.msk [tilespmem:v61+s19+$0x0], $0xffff;
	[tilespmem:s25+$0x1020] =	vst v12  }
0x109: {  	[tilespmem:s24+$0x1810] =	vst v7;
	v7 =	vld.idx.msk [tilespmem:v62+s19+$0x0], $0xffff  }
0x10a: {  	[tilespmem:s24+$0x1820] =	vst v8  }
0x10b: {  	[tilespmem:s25+$0x1830] =	vst v6  }
0x10c: {  	[tilespmem:s25+$0x1800] =	vst v63  }
0x10d: {  	[tilespmem:s25+$0x1810] =	vst v10  }
0x10e: {  	[tilespmem:s25+$0x1820] =	vst v7  }
0x10f: {  	s23 =	sadd.s32 $0x1, s23;
	_ =	strace $0x90000049  }
0x110: {  	p1 =	sne.s32 s23, s14;
	_ =	strace $0x8000004A  }
0x111: {  	[hbm4b:s13+s19] =	stream.strided.scatter [tilespmem:s21], [sflag:$0x2], $0x4000, s20, s19, $0x200038;
	[tilespmem:$0x6B28] =	vst v63  }
.Ltmp1:
0x112: {  	_ = 	snop;
	(pc) =	sbr.rel @p1 .LBB2_1-.Ltmp1, $4  }
0x113: {  	_ =	swait.ge [sflag:s22], $0x4000  }
0x114: {  	[sflag:s22] =	ssyncset.done $0x0  }
0x115: {  	[sflag:s22] =	ssyncadd.s32 $0xFFFFC000  }
0x116: {  	_ =	strace $0x9000004A  }
0x117: {  	_ =	sfence.sel $0x180000  }
0x118: {  	[bflag:$0x0] =	sbarrier.arrive $0xFFFF  }
0x119: {  	p0 =	sne.s32 s1, $0x0;
	_ =	strace $0x90000047  }
0x11a: {  	s0 =	sadd.s32 @!p0 $0x100000, s0;
	[bflag:$0x2] =	sbarrier.arrive $0xFFFF  }
0x11b: {  	[sflag:s0] =	ssyncadd.tile.s32 @!p0 $0x1;
	_ =	shalt  }
.Lfunc_end2:
_tile_overlayer_lowered:
.L_overlay_start_2:
0x11c: {  	(tag) =	ssettag $0x2  }
0x11d: {  	s0 =	rddreg [dreg:$0x0];
	s2 =	stileid.u32  }
0x11e: {  	s1 =	rddreg [dreg:$0x1];
	p0 =	sne.s32 s2, $0x0  }
0x11f: {  	s3 =	rddreg [dreg:$0x2];
	[bflag:$0x3] =	sbarrier.arrive $0xFFFF;
	s2 =	simm.s32 @!p0 $0x1C02  }
0x120: {  	[timem:s3], [sflag:s2] =	dma.local @!p0 [hbm:s0], s1  }
0x121: {  	s0 =	simm.s32 @!p0 $0x2  }
0x122: {  	_ =	swait.ge @!p0 [sflag:s0], s1  }
0x123: {  	s1 =	ssub.s32 @!p0 $0x0, s1;
	[sflag:s0] =	ssyncset.done @!p0 $0x0  }
0x124: {  	[sflag:s0] =	ssyncadd.s32 @!p0 s1  }
0x125: {  	[bflag:$0x3] =	sbarrier.arrive $0xFFFF  }
0x126: {  	_ =	shalt  }

</sc_bundles>
